<compile_context>
chip_gen: v7x
topology: tpu7x:2x2x1
jax: 0.10.2.dev20260603
libtpu: 0.0.44.dev20260713+nightly
codegen_flags: <defaults>
</compile_context>

<pallas_src>
import functools

import jax
import jax.numpy as jnp
from jax import lax
from jax.experimental import pallas as pl
from jax.experimental.pallas import tpu as pltpu
from jax.experimental.pallas import tpu_sc as plsc

_N = 10000
_E = 320000
_D = 128
_NC = 2
_NS = 16
_NW = _NC * _NS
_EPW = _E // _NW
_CH = 80
_NCH = _EPW // _CH
_RB = 1000
_BN = 2000
_GRID = _N // _BN

_mesh = plsc.VectorSubcoreMesh(core_axis_name="c", subcore_axis_name="s")
_sc_params = pltpu.CompilerParams(use_tc_tiling_on_sc=False)



@functools.partial(
    pl.kernel,
    out_type=jax.ShapeDtypeStruct((_NC, _N, 16), jnp.float32),
    mesh=_mesh,
    compiler_params=_sc_params,
    scratch_types=[
        pltpu.VMEM((_NCH, _CH), jnp.int32),
        pltpu.VMEM((_CH, 16), jnp.float32),
        pltpu.VMEM((_RB, 16), jnp.float32),
        pltpu.VMEM_SHARED((_N, 16), jnp.float32),
        pltpu.SemaphoreType.DMA,
    ],
)
def _sc_degree(dst_hbm, out_hbm, dstv, ones, zbuf, shared, sem):
    c = lax.axis_index("c")
    s = lax.axis_index("s")
    wid = c * _NS + s
    idx_cp = pltpu.async_copy(dst_hbm.at[wid], dstv, sem)

    zero16 = jnp.zeros((16,), jnp.float32)
    ones16 = jnp.ones((16,), jnp.float32)

    def fill_ones(i, _):
        ones[i, :] = ones16
        return 0

    lax.fori_loop(0, _CH, fill_ones, 0)
    idx_cp.wait()

    @pl.when(s < _N // _RB)
    def _():
        def fill_zero(i, _):
            zbuf[i, :] = zero16
            return 0

        lax.fori_loop(0, _RB, fill_zero, 0)
        pltpu.sync_copy(zbuf, shared.at[pl.ds(s * _RB, _RB)])

    plsc.subcore_barrier()

    def drain():
        pltpu.make_async_copy(out_hbm.at[0, pl.ds(0, _CH)], ones, sem).wait()

    def hbody(j, _):
        pltpu.async_copy(ones, shared.at[dstv.at[j]], sem, add=True)

        @pl.when(j >= 7)
        def _():
            drain()

        return 0

    lax.fori_loop(0, _NCH, hbody, 0)

    def tail(j, _):
        drain()
        return 0

    lax.fori_loop(0, 7, tail, 0)
    plsc.subcore_barrier()

    @pl.when(s < _N // _RB)
    def _():
        pltpu.sync_copy(
            shared.at[pl.ds(s * _RB, _RB)], out_hbm.at[c, pl.ds(s * _RB, _RB)]
        )


@functools.partial(
    pl.kernel,
    out_type=jax.ShapeDtypeStruct((_NC, _N, _D), jnp.float32),
    mesh=_mesh,
    compiler_params=_sc_params,
    scratch_types=[
        pltpu.VMEM((_NCH, _CH), jnp.int32),
        pltpu.VMEM((_NCH, _CH), jnp.int32),
        pltpu.VMEM((_CH, _D), jnp.float32),
        pltpu.VMEM((_CH, _D), jnp.float32),
        pltpu.VMEM((_CH, _D), jnp.float32),
        pltpu.VMEM_SHARED((_N, _D), jnp.float32),
        pltpu.SemaphoreType.DMA,
        pltpu.SemaphoreType.DMA,
        pltpu.SemaphoreType.DMA,
        pltpu.SemaphoreType.DMA,
        pltpu.SemaphoreType.DMA,
        pltpu.SemaphoreType.DMA,
    ],
)
def _sc_scatter(y_hbm, src_hbm, dst_hbm, out_hbm, srcv, dstv,
                rows_a, rows_b, rows_c, acc, ga, gb, gc, sa, sb, sc):
    c = lax.axis_index("c")
    s = lax.axis_index("s")
    wid = c * _NS + s
    src_cp = pltpu.async_copy(src_hbm.at[wid], srcv, ga)
    dst_cp = pltpu.async_copy(dst_hbm.at[wid], dstv, gb)

    @pl.when(s < _N // _RB)
    def _():
        pltpu.sync_copy(
            y_hbm.at[pl.ds(s * _RB, _RB)], acc.at[pl.ds(s * _RB, _RB)]
        )

    src_cp.wait()
    dst_cp.wait()
    plsc.subcore_barrier()

    def gath(j, buf, gsem):
        pltpu.async_copy(y_hbm.at[srcv.at[j]], buf, gsem)

    def wait_g(buf, gsem):
        pltpu.make_async_copy(y_hbm.at[pl.ds(0, _CH)], buf, gsem).wait()

    def scat(j, buf, ssem):
        pltpu.async_copy(buf, acc.at[dstv.at[j]], ssem, add=True)

    def wait_s(buf, ssem):
        pltpu.make_async_copy(y_hbm.at[pl.ds(0, _CH)], buf, ssem).wait()

    gath(0, rows_a, ga)
    gath(1, rows_b, gb)

    def triple(k, _):
        j = 3 * k
        wait_g(rows_a, ga)
        scat(j, rows_a, sa)

        @pl.when(k > 0)
        def _():
            wait_s(rows_c, sc)

        gath(j + 2, rows_c, gc)
        wait_g(rows_b, gb)
        scat(j + 1, rows_b, sb)
        wait_s(rows_a, sa)
        gath(j + 3, rows_a, ga)
        wait_g(rows_c, gc)
        scat(j + 2, rows_c, sc)
        wait_s(rows_b, sb)
        gath(j + 4, rows_b, gb)
        return 0

    k_end = (_NCH - 2) // 3
    lax.fori_loop(0, k_end, triple, 0)
    wait_g(rows_a, ga)
    scat(_NCH - 2, rows_a, sa)
    wait_s(rows_c, sc)
    wait_g(rows_b, gb)
    scat(_NCH - 1, rows_b, sb)
    wait_s(rows_a, sa)
    wait_s(rows_b, sb)
    plsc.subcore_barrier()

    @pl.when(s < _N // _RB)
    def _():
        pltpu.sync_copy(
            acc.at[pl.ds(s * _RB, _RB)], out_hbm.at[c, pl.ds(s * _RB, _RB)]
        )



def _tc_prep_body(dp_ref, x_ref, w_ref, y_ref, dinv_ref):
    d = dp_ref[0, :, 0:1] + dp_ref[1, :, 0:1] + 1.0
    dinv = lax.rsqrt(d)
    xw = jnp.dot(x_ref[...], w_ref[...], preferred_element_type=jnp.float32)
    y_ref[...] = xw * dinv
    dinv_ref[...] = dinv


def _tc_prep(dp3, x, w1):
    return pl.pallas_call(
        _tc_prep_body,
        grid=(_GRID,),
        in_specs=[
            pl.BlockSpec((_NC, _BN, 16), lambda i: (0, i, 0)),
            pl.BlockSpec((_BN, _D), lambda i: (i, 0)),
            pl.BlockSpec((_D, _D), lambda i: (0, 0)),
        ],
        out_specs=[
            pl.BlockSpec((_BN, _D), lambda i: (i, 0)),
            pl.BlockSpec((_BN, 1), lambda i: (i, 0)),
        ],
        out_shape=[
            jax.ShapeDtypeStruct((_N, _D), jnp.float32),
            jax.ShapeDtypeStruct((_N, 1), jnp.float32),
        ],
    )(dp3, x, w1)


def _tc_mid_body(sp_ref, y_ref, dinv_ref, b_ref, w_ref, out_ref):
    m = sp_ref[0] + sp_ref[1] - y_ref[...]
    h = jnp.maximum(m * dinv_ref[...] + b_ref[...], 0.0)
    out_ref[...] = (
        jnp.dot(h, w_ref[...], preferred_element_type=jnp.float32)
        * dinv_ref[...]
    )


def _tc_mid(sp, y1, dinv, b1, w2):
    return pl.pallas_call(
        _tc_mid_body,
        grid=(_GRID,),
        in_specs=[
            pl.BlockSpec((_NC, _BN, _D), lambda i: (0, i, 0)),
            pl.BlockSpec((_BN, _D), lambda i: (i, 0)),
            pl.BlockSpec((_BN, 1), lambda i: (i, 0)),
            pl.BlockSpec((1, _D), lambda i: (0, 0)),
            pl.BlockSpec((_D, _D), lambda i: (0, 0)),
        ],
        out_specs=pl.BlockSpec((_BN, _D), lambda i: (i, 0)),
        out_shape=jax.ShapeDtypeStruct((_N, _D), jnp.float32),
    )(sp, y1, dinv, b1, w2)


def _tc_final_body(sp_ref, y_ref, dinv_ref, b_ref, out_ref):
    m = sp_ref[0] + sp_ref[1] - y_ref[...]
    h = m * dinv_ref[...]
    part = jnp.sum(h, axis=0, keepdims=True) * (1.0 / _N)

    @pl.when(pl.program_id(0) == 0)
    def _():
        out_ref[...] = b_ref[...]

    out_ref[...] += part


def _tc_final(sp, y2, dinv, b2):
    return pl.pallas_call(
        _tc_final_body,
        grid=(_GRID,),
        in_specs=[
            pl.BlockSpec((_NC, _BN, _D), lambda i: (0, i, 0)),
            pl.BlockSpec((_BN, _D), lambda i: (i, 0)),
            pl.BlockSpec((_BN, 1), lambda i: (i, 0)),
            pl.BlockSpec((1, _D), lambda i: (0, 0)),
        ],
        out_specs=pl.BlockSpec((1, _D), lambda i: (0, 0)),
        out_shape=jax.ShapeDtypeStruct((1, _D), jnp.float32),
    )(sp, y2, dinv, b2)



def kernel(x, edge_index, batch, W1, b1, W2, b2):
    src = edge_index[0]
    dst = edge_index[1]
    srcr = src.reshape(_NW, _NCH, _CH)
    dstr = dst.reshape(_NW, _NCH, _CH)

    dp = _sc_degree(dstr)
    y1, dinv = _tc_prep(dp, x, W1)
    s1 = _sc_scatter(y1, srcr, dstr)
    y2 = _tc_mid(s1, y1, dinv, b1.reshape(1, _D), W2)
    s2 = _sc_scatter(y2, srcr, dstr)
    return _tc_final(s2, y2, dinv, b2.reshape(1, _D))

# --- scband reference (transcript-rebuilt; emitter-appended) ---
"""Pipeline reference for scband-gnn-9088150798514 (READ-ONLY COPY).

The authoritative reference and input builder live on the scoring server;
editing this copy changes nothing except your own understanding.
"""

import jax, jax.numpy as jnp
import numpy as np

N = 10000
E = 320000
D_IN = 128
D_HID = 128
D_OUT = 128


def _glorot(key, shape):
    fan_in, fan_out = shape[0], shape[1]
    limit = float(np.sqrt(6.0 / (fan_in + fan_out)))
    return jax.random.uniform(key, shape, dtype=jnp.float32, minval=-limit, maxval=limit)


def setup_inputs(seed: int = 0) -> dict:
    key = jax.random.key(seed)
    k1, k2, k3, k4 = jax.random.split(key, 4)
    x = jax.random.normal(k1, (N, D_IN), dtype=jnp.float32)
    edge_index = jax.random.randint(k2, (2, E), 0, N, dtype=jnp.int32)
    batch = jnp.zeros((N,), dtype=jnp.int32)
    W1 = _glorot(k3, (D_IN, D_HID))
    b1 = jnp.zeros((D_HID,), dtype=jnp.float32)
    W2 = _glorot(k4, (D_HID, D_OUT))
    b2 = jnp.zeros((D_OUT,), dtype=jnp.float32)
    return {"x": x, "edge_index": edge_index, "batch": batch,
            "W1": W1, "b1": b1, "W2": W2, "b2": b2}


def _gcn_conv(x, src, dst, W, b, n):
    # PyG GCNConv with add_self_loops=True and symmetric normalization
    loop = jnp.arange(n, dtype=src.dtype)
    src2 = jnp.concatenate([src, loop])
    dst2 = jnp.concatenate([dst, loop])
    deg = jnp.zeros((n,), dtype=x.dtype).at[dst2].add(1.0)
    dinv = jnp.where(deg > 0, 1.0 / jnp.sqrt(deg), 0.0)
    xw = x @ W
    norm = dinv[src2] * dinv[dst2]
    msg = jnp.take(xw, src2, axis=0) * norm[:, None]
    out = jax.ops.segment_sum(msg, dst2, num_segments=n)
    return out + b


def reference(x, edge_index, batch, W1, b1, W2, b2):
    x = x.astype(jnp.float32)
    src = edge_index[0]
    dst = edge_index[1]
    # layer 0: GCNConv + ReLU (dropout p=0.0 is identity)
    h = _gcn_conv(x, src, dst, W1, b1, N)
    h = jax.nn.relu(h)
    # layer 1 (last): GCNConv, no activation, last_layer_fa=False
    h = _gcn_conv(h, src, dst, W2, b2, N)
    # global_mean_pool over batch (single graph -> 1 segment)
    sums = jax.ops.segment_sum(h, batch, num_segments=1)
    counts = jax.ops.segment_sum(jnp.ones((h.shape[0], 1), dtype=h.dtype), batch, num_segments=1)
    return sums / counts

if __name__ == "__main__":
    import jax
    _d = setup_inputs()
    print(jax.jit(kernel)(*tuple(_d.values())))

</pallas_src>

<mosaic_0001>
#map = affine_map<(d0, d1) -> (0, 0)>
#map1 = affine_map<(d0, d1) -> (0, 0, 0)>
module attributes {stable_mosaic.version = 14 : i64} {
  func.func @_sc_scatter(%arg0: i32, %arg1: i32, %arg2: memref<10000x128xf32, #tpu.memory_space<hbm>>, %arg3: memref<32x125x80xi32, #tpu.memory_space<hbm>>, %arg4: memref<32x125x80xi32, #tpu.memory_space<hbm>>, %arg5: memref<2x10000x128xf32, #tpu.memory_space<hbm>>, %arg6: memref<125x80xi32, #tpu.memory_space<vmem>>, %arg7: memref<125x80xi32, #tpu.memory_space<vmem>>, %arg8: memref<80x128xf32, #tpu.memory_space<vmem>>, %arg9: memref<80x128xf32, #tpu.memory_space<vmem>>, %arg10: memref<80x128xf32, #tpu.memory_space<vmem>>, %arg11: memref<10000x128xf32, #tpu.memory_space<vmem_shared>>, %arg12: memref<!tpu.dma_semaphore, #tpu.memory_space<semaphore_mem>>, %arg13: memref<!tpu.dma_semaphore, #tpu.memory_space<semaphore_mem>>, %arg14: memref<!tpu.dma_semaphore, #tpu.memory_space<semaphore_mem>>, %arg15: memref<!tpu.dma_semaphore, #tpu.memory_space<semaphore_mem>>, %arg16: memref<!tpu.dma_semaphore, #tpu.memory_space<semaphore_mem>>, %arg17: memref<!tpu.dma_semaphore, #tpu.memory_space<semaphore_mem>>) attributes {dimension_semantics = [#tpu.dimension_semantics<core_parallel>, #tpu.dimension_semantics<subcore_parallel>], iteration_bounds = array<i64: 2, 16>, scalar_prefetch = 0 : i64, scratch_operands = 12 : i64, tpu.core_type = #tpu.core_type<sc_vector_subcore>, window_params = [{transform_indices = #map}, {transform_indices = #map1}, {transform_indices = #map1}, {transform_indices = #map1}]} {
    %mul3A = arith.constant 16 : i32
    %mul3A_0 = arith.muli %arg0, %mul3A : i32
    %add3A = arith.addi %mul3A_0, %arg1 : i32
    %dma_start3A = arith.constant 0 : i32
    %dma_start3A_1 = arith.constant 0 : i32
    %dma_start3A_2 = tpu.memref_slice %arg3[%add3A, %dma_start3A, %dma_start3A_1] : memref<32x125x80xi32, #tpu.memory_space<hbm>> -> memref<1x125x80xi32, #tpu.memory_space<hbm>>
    %dma_start3A_3 = tpu.memref_squeeze %dma_start3A_2 : memref<1x125x80xi32, #tpu.memory_space<hbm>> -> memref<125x80xi32, #tpu.memory_space<hbm>>
    %dma_start3A_4 = arith.constant 0 : i32
    %dma_start3A_5 = arith.constant 0 : i32
    %dma_start3A_6 = tpu.memref_slice %arg3[%add3A, %dma_start3A_4, %dma_start3A_5] : memref<32x125x80xi32, #tpu.memory_space<hbm>> -> memref<1x125x80xi32, #tpu.memory_space<hbm>>
    %dma_start3A_7 = tpu.memref_squeeze %dma_start3A_6 : memref<1x125x80xi32, #tpu.memory_space<hbm>> -> memref<125x80xi32, #tpu.memory_space<hbm>>
    tpu.enqueue_dma source(%dma_start3A_7 : memref<125x80xi32, #tpu.memory_space<hbm>>) target(%arg6 : memref<125x80xi32, #tpu.memory_space<vmem>>) target_semaphore(%arg12 : memref<!tpu.dma_semaphore, #tpu.memory_space<semaphore_mem>>)
    %dma_start3A_8 = arith.constant 0 : i32
    %dma_start3A_9 = arith.constant 0 : i32
    %dma_start3A_10 = tpu.memref_slice %arg4[%add3A, %dma_start3A_8, %dma_start3A_9] : memref<32x125x80xi32, #tpu.memory_space<hbm>> -> memref<1x125x80xi32, #tpu.memory_space<hbm>>
    %dma_start3A_11 = tpu.memref_squeeze %dma_start3A_10 : memref<1x125x80xi32, #tpu.memory_space<hbm>> -> memref<125x80xi32, #tpu.memory_space<hbm>>
    %dma_start3A_12 = arith.constant 0 : i32
    %dma_start3A_13 = arith.constant 0 : i32
    %dma_start3A_14 = tpu.memref_slice %arg4[%add3A, %dma_start3A_12, %dma_start3A_13] : memref<32x125x80xi32, #tpu.memory_space<hbm>> -> memref<1x125x80xi32, #tpu.memory_space<hbm>>
    %dma_start3A_15 = tpu.memref_squeeze %dma_start3A_14 : memref<1x125x80xi32, #tpu.memory_space<hbm>> -> memref<125x80xi32, #tpu.memory_space<hbm>>
    tpu.enqueue_dma source(%dma_start3A_15 : memref<125x80xi32, #tpu.memory_space<hbm>>) target(%arg7 : memref<125x80xi32, #tpu.memory_space<vmem>>) target_semaphore(%arg13 : memref<!tpu.dma_semaphore, #tpu.memory_space<semaphore_mem>>)
    %lt3A = arith.constant 10 : i32
    %lt3A_16 = arith.cmpi slt, %arg1, %lt3A : i32
    %convert_element_type3A = arith.extui %lt3A_16 : i1 to i32
    %cond3A = arith.constant 0 : i32
    %cond3A_17 = arith.cmpi ne, %convert_element_type3A, %cond3A : i32
    scf.if %cond3A_17 {
      %mul3A_103 = arith.constant 1000 : i32
      %mul3A_104 = arith.muli %arg1, %mul3A_103 : i32
      %mul3A_105 = arith.constant 1000 : i32
      %mul3A_106 = arith.muli %arg1, %mul3A_105 : i32
      "tpu.region"() ({
        %run_scoped3A = tpu.sem_alloc : memref<!tpu.dma_semaphore, #tpu.memory_space<semaphore_mem>>
        %dma_start3A_107 = arith.constant 0 : i32
        %dma_start3A_108 = tpu.memref_slice %arg11[%mul3A_106, %dma_start3A_107] : memref<10000x128xf32, #tpu.memory_space<vmem_shared>> -> memref<1000x128xf32, #tpu.memory_space<vmem_shared>>
        %dma_start3A_109 = arith.constant 0 : i32
        %dma_start3A_110 = tpu.memref_slice %arg2[%mul3A_104, %dma_start3A_109] : memref<10000x128xf32, #tpu.memory_space<hbm>> -> memref<1000x128xf32, #tpu.memory_space<hbm>>
        tpu.enqueue_dma source(%dma_start3A_110 : memref<1000x128xf32, #tpu.memory_space<hbm>>) target(%dma_start3A_108 : memref<1000x128xf32, #tpu.memory_space<vmem_shared>>) target_semaphore(%run_scoped3A : memref<!tpu.dma_semaphore, #tpu.memory_space<semaphore_mem>>)
        %dma_wait3A_111 = arith.constant 0 : i32
        %dma_wait3A_112 = tpu.memref_slice %arg11[%mul3A_106, %dma_wait3A_111] : memref<10000x128xf32, #tpu.memory_space<vmem_shared>> -> memref<1000x128xf32, #tpu.memory_space<vmem_shared>>
        %dma_wait3A_113 = arith.constant 0 : i32
        %dma_wait3A_114 = tpu.memref_slice %arg2[%mul3A_104, %dma_wait3A_113] : memref<10000x128xf32, #tpu.memory_space<hbm>> -> memref<1000x128xf32, #tpu.memory_space<hbm>>
        tpu.wait_dma2 semaphore(%run_scoped3A : memref<!tpu.dma_semaphore, #tpu.memory_space<semaphore_mem>>) src(%dma_wait3A_114 : memref<1000x128xf32, #tpu.memory_space<hbm>>) dst(%dma_wait3A_112 : memref<1000x128xf32, #tpu.memory_space<vmem_shared>>)
        tpu.yield
      }) : () -> ()
    } else {
    }
    %dma_wait3A = arith.constant 0 : i32
    %dma_wait3A_18 = arith.constant 0 : i32
    %dma_wait3A_19 = tpu.memref_slice %arg3[%add3A, %dma_wait3A, %dma_wait3A_18] : memref<32x125x80xi32, #tpu.memory_space<hbm>> -> memref<1x125x80xi32, #tpu.memory_space<hbm>>
    %dma_wait3A_20 = tpu.memref_squeeze %dma_wait3A_19 : memref<1x125x80xi32, #tpu.memory_space<hbm>> -> memref<125x80xi32, #tpu.memory_space<hbm>>
    %dma_wait3A_21 = arith.constant 0 : i32
    %dma_wait3A_22 = arith.constant 0 : i32
    %dma_wait3A_23 = tpu.memref_slice %arg3[%add3A, %dma_wait3A_21, %dma_wait3A_22] : memref<32x125x80xi32, #tpu.memory_space<hbm>> -> memref<1x125x80xi32, #tpu.memory_space<hbm>>
    %dma_wait3A_24 = tpu.memref_squeeze %dma_wait3A_23 : memref<1x125x80xi32, #tpu.memory_space<hbm>> -> memref<125x80xi32, #tpu.memory_space<hbm>>
    tpu.wait_dma2 semaphore(%arg12 : memref<!tpu.dma_semaphore, #tpu.memory_space<semaphore_mem>>) src(%dma_wait3A_24 : memref<125x80xi32, #tpu.memory_space<hbm>>) dst(%arg6 : memref<125x80xi32, #tpu.memory_space<vmem>>)
    %dma_wait3A_25 = arith.constant 0 : i32
    %dma_wait3A_26 = arith.constant 0 : i32
    %dma_wait3A_27 = tpu.memref_slice %arg4[%add3A, %dma_wait3A_25, %dma_wait3A_26] : memref<32x125x80xi32, #tpu.memory_space<hbm>> -> memref<1x125x80xi32, #tpu.memory_space<hbm>>
    %dma_wait3A_28 = tpu.memref_squeeze %dma_wait3A_27 : memref<1x125x80xi32, #tpu.memory_space<hbm>> -> memref<125x80xi32, #tpu.memory_space<hbm>>
    %dma_wait3A_29 = arith.constant 0 : i32
    %dma_wait3A_30 = arith.constant 0 : i32
    %dma_wait3A_31 = tpu.memref_slice %arg4[%add3A, %dma_wait3A_29, %dma_wait3A_30] : memref<32x125x80xi32, #tpu.memory_space<hbm>> -> memref<1x125x80xi32, #tpu.memory_space<hbm>>
    %dma_wait3A_32 = tpu.memref_squeeze %dma_wait3A_31 : memref<1x125x80xi32, #tpu.memory_space<hbm>> -> memref<125x80xi32, #tpu.memory_space<hbm>>
    tpu.wait_dma2 semaphore(%arg13 : memref<!tpu.dma_semaphore, #tpu.memory_space<semaphore_mem>>) src(%dma_wait3A_32 : memref<125x80xi32, #tpu.memory_space<hbm>>) dst(%arg7 : memref<125x80xi32, #tpu.memory_space<vmem>>)
    %barrier3A = arith.constant 0 : index
    tpu.barrier barrier_id(%barrier3A)
    %dma_start3A_33 = arith.constant 0 : i32
    %dma_start3A_34 = arith.constant 0 : i32
    %dma_start3A_35 = tpu.memref_slice %arg6[%dma_start3A_33, %dma_start3A_34] : memref<125x80xi32, #tpu.memory_space<vmem>> -> memref<1x80xi32, #tpu.memory_space<vmem>>
    %dma_start3A_36 = tpu.memref_squeeze %dma_start3A_35 : memref<1x80xi32, #tpu.memory_space<vmem>> -> memref<80xi32, #tpu.memory_space<vmem>>
    %dma_start3A_37 = arith.constant 0 : i32
    %dma_start3A_38 = arith.constant 0 : i32
    %dma_start3A_39 = tpu.memref_slice %arg2[%dma_start3A_37, %dma_start3A_38] : memref<10000x128xf32, #tpu.memory_space<hbm>> -> memref<10000x128xf32, #tpu.memory_space<hbm>>
    tpu.enqueue_indirect_dma source(%dma_start3A_39 : memref<10000x128xf32, #tpu.memory_space<hbm>>) target(%arg8 : memref<80x128xf32, #tpu.memory_space<vmem>>) offsets(%dma_start3A_36 : memref<80xi32, #tpu.memory_space<vmem>>) semaphore(%arg12 : memref<!tpu.dma_semaphore, #tpu.memory_space<semaphore_mem>>)
    %dma_start3A_40 = arith.constant 1 : i32
    %dma_start3A_41 = arith.constant 0 : i32
    %dma_start3A_42 = tpu.memref_slice %arg6[%dma_start3A_40, %dma_start3A_41] : memref<125x80xi32, #tpu.memory_space<vmem>> -> memref<1x80xi32, #tpu.memory_space<vmem>>
    %dma_start3A_43 = tpu.memref_squeeze %dma_start3A_42 : memref<1x80xi32, #tpu.memory_space<vmem>> -> memref<80xi32, #tpu.memory_space<vmem>>
    %dma_start3A_44 = arith.constant 0 : i32
    %dma_start3A_45 = arith.constant 0 : i32
    %dma_start3A_46 = tpu.memref_slice %arg2[%dma_start3A_44, %dma_start3A_45] : memref<10000x128xf32, #tpu.memory_space<hbm>> -> memref<10000x128xf32, #tpu.memory_space<hbm>>
    tpu.enqueue_indirect_dma source(%dma_start3A_46 : memref<10000x128xf32, #tpu.memory_space<hbm>>) target(%arg9 : memref<80x128xf32, #tpu.memory_space<vmem>>) offsets(%dma_start3A_43 : memref<80xi32, #tpu.memory_space<vmem>>) semaphore(%arg13 : memref<!tpu.dma_semaphore, #tpu.memory_space<semaphore_mem>>)
    %scan3A = arith.constant 0 : i32
    %scan3A_47 = arith.constant 0 : i32
    %scan3A_48 = arith.constant 41 : i32
    %scan3A_49 = arith.addi %scan3A_47, %scan3A_48 : i32
    %scan3A_50 = arith.constant 1 : i32
    %scan3A_51 = scf.for %scan3A_103 = %scan3A_47 to %scan3A_49 step %scan3A_50 iter_args(%scan3A_104 = %scan3A) -> (i32)  : i32 {
      %mul3A_105 = arith.constant 3 : i32
      %mul3A_106 = arith.muli %mul3A_105, %scan3A_103 : i32
      %dma_wait3A_107 = arith.constant 0 : i32
      %dma_wait3A_108 = arith.constant 0 : i32
      %dma_wait3A_109 = tpu.memref_slice %arg2[%dma_wait3A_107, %dma_wait3A_108] : memref<10000x128xf32, #tpu.memory_space<hbm>> -> memref<80x128xf32, #tpu.memory_space<hbm>>
      %dma_wait3A_110 = arith.constant 0 : i32
      %dma_wait3A_111 = arith.constant 0 : i32
      %dma_wait3A_112 = tpu.memref_slice %arg2[%dma_wait3A_110, %dma_wait3A_111] : memref<10000x128xf32, #tpu.memory_space<hbm>> -> memref<80x128xf32, #tpu.memory_space<hbm>>
      tpu.wait_dma2 semaphore(%arg12 : memref<!tpu.dma_semaphore, #tpu.memory_space<semaphore_mem>>) src(%dma_wait3A_112 : memref<80x128xf32, #tpu.memory_space<hbm>>) dst(%arg8 : memref<80x128xf32, #tpu.memory_space<vmem>>)
      %dma_start3A_113 = arith.constant 0 : i32
      %dma_start3A_114 = tpu.memref_slice %arg7[%mul3A_106, %dma_start3A_113] : memref<125x80xi32, #tpu.memory_space<vmem>> -> memref<1x80xi32, #tpu.memory_space<vmem>>
      %dma_start3A_115 = tpu.memref_squeeze %dma_start3A_114 : memref<1x80xi32, #tpu.memory_space<vmem>> -> memref<80xi32, #tpu.memory_space<vmem>>
      %dma_start3A_116 = arith.constant 0 : i32
      %dma_start3A_117 = arith.constant 0 : i32
      %dma_start3A_118 = tpu.memref_slice %arg11[%dma_start3A_116, %dma_start3A_117] : memref<10000x128xf32, #tpu.memory_space<vmem_shared>> -> memref<10000x128xf32, #tpu.memory_space<vmem_shared>>
      tpu.enqueue_indirect_dma source(%arg8 : memref<80x128xf32, #tpu.memory_space<vmem>>) target(%dma_start3A_118 : memref<10000x128xf32, #tpu.memory_space<vmem_shared>>) offsets(%dma_start3A_115 : memref<80xi32, #tpu.memory_space<vmem>>) semaphore(%arg15 : memref<!tpu.dma_semaphore, #tpu.memory_space<semaphore_mem>>) {add = true}
      %gt3A = arith.constant 0 : i32
      %gt3A_119 = arith.cmpi sgt, %scan3A_103, %gt3A : i32
      %convert_element_type3A_120 = arith.extui %gt3A_119 : i1 to i32
      %cond3A_121 = arith.constant 0 : i32
      %cond3A_122 = arith.cmpi ne, %convert_element_type3A_120, %cond3A_121 : i32
      scf.if %cond3A_122 {
        %dma_wait3A_188 = arith.constant 0 : i32
        %dma_wait3A_189 = arith.constant 0 : i32
        %dma_wait3A_190 = tpu.memref_slice %arg2[%dma_wait3A_188, %dma_wait3A_189] : memref<10000x128xf32, #tpu.memory_space<hbm>> -> memref<80x128xf32, #tpu.memory_space<hbm>>
        %dma_wait3A_191 = arith.constant 0 : i32
        %dma_wait3A_192 = arith.constant 0 : i32
        %dma_wait3A_193 = tpu.memref_slice %arg2[%dma_wait3A_191, %dma_wait3A_192] : memref<10000x128xf32, #tpu.memory_space<hbm>> -> memref<80x128xf32, #tpu.memory_space<hbm>>
        tpu.wait_dma2 semaphore(%arg17 : memref<!tpu.dma_semaphore, #tpu.memory_space<semaphore_mem>>) src(%dma_wait3A_193 : memref<80x128xf32, #tpu.memory_space<hbm>>) dst(%arg10 : memref<80x128xf32, #tpu.memory_space<vmem>>)
      } else {
      }
      %add3A_123 = arith.constant 2 : i32
      %add3A_124 = arith.addi %mul3A_106, %add3A_123 : i32
      %dma_start3A_125 = arith.constant 0 : i32
      %dma_start3A_126 = tpu.memref_slice %arg6[%add3A_124, %dma_start3A_125] : memref<125x80xi32, #tpu.memory_space<vmem>> -> memref<1x80xi32, #tpu.memory_space<vmem>>
      %dma_start3A_127 = tpu.memref_squeeze %dma_start3A_126 : memref<1x80xi32, #tpu.memory_space<vmem>> -> memref<80xi32, #tpu.memory_space<vmem>>
      %dma_start3A_128 = arith.constant 0 : i32
      %dma_start3A_129 = arith.constant 0 : i32
      %dma_start3A_130 = tpu.memref_slice %arg2[%dma_start3A_128, %dma_start3A_129] : memref<10000x128xf32, #tpu.memory_space<hbm>> -> memref<10000x128xf32, #tpu.memory_space<hbm>>
      tpu.enqueue_indirect_dma source(%dma_start3A_130 : memref<10000x128xf32, #tpu.memory_space<hbm>>) target(%arg10 : memref<80x128xf32, #tpu.memory_space<vmem>>) offsets(%dma_start3A_127 : memref<80xi32, #tpu.memory_space<vmem>>) semaphore(%arg14 : memref<!tpu.dma_semaphore, #tpu.memory_space<semaphore_mem>>)
      %dma_wait3A_131 = arith.constant 0 : i32
      %dma_wait3A_132 = arith.constant 0 : i32
      %dma_wait3A_133 = tpu.memref_slice %arg2[%dma_wait3A_131, %dma_wait3A_132] : memref<10000x128xf32, #tpu.memory_space<hbm>> -> memref<80x128xf32, #tpu.memory_space<hbm>>
      %dma_wait3A_134 = arith.constant 0 : i32
      %dma_wait3A_135 = arith.constant 0 : i32
      %dma_wait3A_136 = tpu.memref_slice %arg2[%dma_wait3A_134, %dma_wait3A_135] : memref<10000x128xf32, #tpu.memory_space<hbm>> -> memref<80x128xf32, #tpu.memory_space<hbm>>
      tpu.wait_dma2 semaphore(%arg13 : memref<!tpu.dma_semaphore, #tpu.memory_space<semaphore_mem>>) src(%dma_wait3A_136 : memref<80x128xf32, #tpu.memory_space<hbm>>) dst(%arg9 : memref<80x128xf32, #tpu.memory_space<vmem>>)
      %add3A_137 = arith.constant 1 : i32
      %add3A_138 = arith.addi %mul3A_106, %add3A_137 : i32
      %dma_start3A_139 = arith.constant 0 : i32
      %dma_start3A_140 = tpu.memref_slice %arg7[%add3A_138, %dma_start3A_139] : memref<125x80xi32, #tpu.memory_space<vmem>> -> memref<1x80xi32, #tpu.memory_space<vmem>>
      %dma_start3A_141 = tpu.memref_squeeze %dma_start3A_140 : memref<1x80xi32, #tpu.memory_space<vmem>> -> memref<80xi32, #tpu.memory_space<vmem>>
      %dma_start3A_142 = arith.constant 0 : i32
      %dma_start3A_143 = arith.constant 0 : i32
      %dma_start3A_144 = tpu.memref_slice %arg11[%dma_start3A_142, %dma_start3A_143] : memref<10000x128xf32, #tpu.memory_space<vmem_shared>> -> memref<10000x128xf32, #tpu.memory_space<vmem_shared>>
      tpu.enqueue_indirect_dma source(%arg9 : memref<80x128xf32, #tpu.memory_space<vmem>>) target(%dma_start3A_144 : memref<10000x128xf32, #tpu.memory_space<vmem_shared>>) offsets(%dma_start3A_141 : memref<80xi32, #tpu.memory_space<vmem>>) semaphore(%arg16 : memref<!tpu.dma_semaphore, #tpu.memory_space<semaphore_mem>>) {add = true}
      %dma_wait3A_145 = arith.constant 0 : i32
      %dma_wait3A_146 = arith.constant 0 : i32
      %dma_wait3A_147 = tpu.memref_slice %arg2[%dma_wait3A_145, %dma_wait3A_146] : memref<10000x128xf32, #tpu.memory_space<hbm>> -> memref<80x128xf32, #tpu.memory_space<hbm>>
      %dma_wait3A_148 = arith.constant 0 : i32
      %dma_wait3A_149 = arith.constant 0 : i32
      %dma_wait3A_150 = tpu.memref_slice %arg2[%dma_wait3A_148, %dma_wait3A_149] : memref<10000x128xf32, #tpu.memory_space<hbm>> -> memref<80x128xf32, #tpu.memory_space<hbm>>
      tpu.wait_dma2 semaphore(%arg15 : memref<!tpu.dma_semaphore, #tpu.memory_space<semaphore_mem>>) src(%dma_wait3A_150 : memref<80x128xf32, #tpu.memory_space<hbm>>) dst(%arg8 : memref<80x128xf32, #tpu.memory_space<vmem>>)
      %add3A_151 = arith.constant 3 : i32
      %add3A_152 = arith.addi %mul3A_106, %add3A_151 : i32
      %dma_start3A_153 = arith.constant 0 : i32
      %dma_start3A_154 = tpu.memref_slice %arg6[%add3A_152, %dma_start3A_153] : memref<125x80xi32, #tpu.memory_space<vmem>> -> memref<1x80xi32, #tpu.memory_space<vmem>>
      %dma_start3A_155 = tpu.memref_squeeze %dma_start3A_154 : memref<1x80xi32, #tpu.memory_space<vmem>> -> memref<80xi32, #tpu.memory_space<vmem>>
      %dma_start3A_156 = arith.constant 0 : i32
      %dma_start3A_157 = arith.constant 0 : i32
      %dma_start3A_158 = tpu.memref_slice %arg2[%dma_start3A_156, %dma_start3A_157] : memref<10000x128xf32, #tpu.memory_space<hbm>> -> memref<10000x128xf32, #tpu.memory_space<hbm>>
      tpu.enqueue_indirect_dma source(%dma_start3A_158 : memref<10000x128xf32, #tpu.memory_space<hbm>>) target(%arg8 : memref<80x128xf32, #tpu.memory_space<vmem>>) offsets(%dma_start3A_155 : memref<80xi32, #tpu.memory_space<vmem>>) semaphore(%arg12 : memref<!tpu.dma_semaphore, #tpu.memory_space<semaphore_mem>>)
      %dma_wait3A_159 = arith.constant 0 : i32
      %dma_wait3A_160 = arith.constant 0 : i32
      %dma_wait3A_161 = tpu.memref_slice %arg2[%dma_wait3A_159, %dma_wait3A_160] : memref<10000x128xf32, #tpu.memory_space<hbm>> -> memref<80x128xf32, #tpu.memory_space<hbm>>
      %dma_wait3A_162 = arith.constant 0 : i32
      %dma_wait3A_163 = arith.constant 0 : i32
      %dma_wait3A_164 = tpu.memref_slice %arg2[%dma_wait3A_162, %dma_wait3A_163] : memref<10000x128xf32, #tpu.memory_space<hbm>> -> memref<80x128xf32, #tpu.memory_space<hbm>>
      tpu.wait_dma2 semaphore(%arg14 : memref<!tpu.dma_semaphore, #tpu.memory_space<semaphore_mem>>) src(%dma_wait3A_164 : memref<80x128xf32, #tpu.memory_space<hbm>>) dst(%arg10 : memref<80x128xf32, #tpu.memory_space<vmem>>)
      %add3A_165 = arith.constant 2 : i32
      %add3A_166 = arith.addi %mul3A_106, %add3A_165 : i32
      %dma_start3A_167 = arith.constant 0 : i32
      %dma_start3A_168 = tpu.memref_slice %arg7[%add3A_166, %dma_start3A_167] : memref<125x80xi32, #tpu.memory_space<vmem>> -> memref<1x80xi32, #tpu.memory_space<vmem>>
      %dma_start3A_169 = tpu.memref_squeeze %dma_start3A_168 : memref<1x80xi32, #tpu.memory_space<vmem>> -> memref<80xi32, #tpu.memory_space<vmem>>
      %dma_start3A_170 = arith.constant 0 : i32
      %dma_start3A_171 = arith.constant 0 : i32
      %dma_start3A_172 = tpu.memref_slice %arg11[%dma_start3A_170, %dma_start3A_171] : memref<10000x128xf32, #tpu.memory_space<vmem_shared>> -> memref<10000x128xf32, #tpu.memory_space<vmem_shared>>
      tpu.enqueue_indirect_dma source(%arg10 : memref<80x128xf32, #tpu.memory_space<vmem>>) target(%dma_start3A_172 : memref<10000x128xf32, #tpu.memory_space<vmem_shared>>) offsets(%dma_start3A_169 : memref<80xi32, #tpu.memory_space<vmem>>) semaphore(%arg17 : memref<!tpu.dma_semaphore, #tpu.memory_space<semaphore_mem>>) {add = true}
      %dma_wait3A_173 = arith.constant 0 : i32
      %dma_wait3A_174 = arith.constant 0 : i32
      %dma_wait3A_175 = tpu.memref_slice %arg2[%dma_wait3A_173, %dma_wait3A_174] : memref<10000x128xf32, #tpu.memory_space<hbm>> -> memref<80x128xf32, #tpu.memory_space<hbm>>
      %dma_wait3A_176 = arith.constant 0 : i32
      %dma_wait3A_177 = arith.constant 0 : i32
      %dma_wait3A_178 = tpu.memref_slice %arg2[%dma_wait3A_176, %dma_wait3A_177] : memref<10000x128xf32, #tpu.memory_space<hbm>> -> memref<80x128xf32, #tpu.memory_space<hbm>>
      tpu.wait_dma2 semaphore(%arg16 : memref<!tpu.dma_semaphore, #tpu.memory_space<semaphore_mem>>) src(%dma_wait3A_178 : memref<80x128xf32, #tpu.memory_space<hbm>>) dst(%arg9 : memref<80x128xf32, #tpu.memory_space<vmem>>)
      %add3A_179 = arith.constant 4 : i32
      %add3A_180 = arith.addi %mul3A_106, %add3A_179 : i32
      %dma_start3A_181 = arith.constant 0 : i32
      %dma_start3A_182 = tpu.memref_slice %arg6[%add3A_180, %dma_start3A_181] : memref<125x80xi32, #tpu.memory_space<vmem>> -> memref<1x80xi32, #tpu.memory_space<vmem>>
      %dma_start3A_183 = tpu.memref_squeeze %dma_start3A_182 : memref<1x80xi32, #tpu.memory_space<vmem>> -> memref<80xi32, #tpu.memory_space<vmem>>
      %dma_start3A_184 = arith.constant 0 : i32
      %dma_start3A_185 = arith.constant 0 : i32
      %dma_start3A_186 = tpu.memref_slice %arg2[%dma_start3A_184, %dma_start3A_185] : memref<10000x128xf32, #tpu.memory_space<hbm>> -> memref<10000x128xf32, #tpu.memory_space<hbm>>
      tpu.enqueue_indirect_dma source(%dma_start3A_186 : memref<10000x128xf32, #tpu.memory_space<hbm>>) target(%arg9 : memref<80x128xf32, #tpu.memory_space<vmem>>) offsets(%dma_start3A_183 : memref<80xi32, #tpu.memory_space<vmem>>) semaphore(%arg13 : memref<!tpu.dma_semaphore, #tpu.memory_space<semaphore_mem>>)
      %scan3A_187 = arith.constant 0 : i32
      scf.yield %scan3A_187 : i32
    }
    %scan3A_52 = arith.constant 41 : i32
    %dma_wait3A_53 = arith.constant 0 : i32
    %dma_wait3A_54 = arith.constant 0 : i32
    %dma_wait3A_55 = tpu.memref_slice %arg2[%dma_wait3A_53, %dma_wait3A_54] : memref<10000x128xf32, #tpu.memory_space<hbm>> -> memref<80x128xf32, #tpu.memory_space<hbm>>
    %dma_wait3A_56 = arith.constant 0 : i32
    %dma_wait3A_57 = arith.constant 0 : i32
    %dma_wait3A_58 = tpu.memref_slice %arg2[%dma_wait3A_56, %dma_wait3A_57] : memref<10000x128xf32, #tpu.memory_space<hbm>> -> memref<80x128xf32, #tpu.memory_space<hbm>>
    tpu.wait_dma2 semaphore(%arg12 : memref<!tpu.dma_semaphore, #tpu.memory_space<semaphore_mem>>) src(%dma_wait3A_58 : memref<80x128xf32, #tpu.memory_space<hbm>>) dst(%arg8 : memref<80x128xf32, #tpu.memory_space<vmem>>)
    %dma_start3A_59 = arith.constant 123 : i32
    %dma_start3A_60 = arith.constant 0 : i32
    %dma_start3A_61 = tpu.memref_slice %arg7[%dma_start3A_59, %dma_start3A_60] : memref<125x80xi32, #tpu.memory_space<vmem>> -> memref<1x80xi32, #tpu.memory_space<vmem>>
    %dma_start3A_62 = tpu.memref_squeeze %dma_start3A_61 : memref<1x80xi32, #tpu.memory_space<vmem>> -> memref<80xi32, #tpu.memory_space<vmem>>
    %dma_start3A_63 = arith.constant 0 : i32
    %dma_start3A_64 = arith.constant 0 : i32
    %dma_start3A_65 = tpu.memref_slice %arg11[%dma_start3A_63, %dma_start3A_64] : memref<10000x128xf32, #tpu.memory_space<vmem_shared>> -> memref<10000x128xf32, #tpu.memory_space<vmem_shared>>
    tpu.enqueue_indirect_dma source(%arg8 : memref<80x128xf32, #tpu.memory_space<vmem>>) target(%dma_start3A_65 : memref<10000x128xf32, #tpu.memory_space<vmem_shared>>) offsets(%dma_start3A_62 : memref<80xi32, #tpu.memory_space<vmem>>) semaphore(%arg15 : memref<!tpu.dma_semaphore, #tpu.memory_space<semaphore_mem>>) {add = true}
    %dma_wait3A_66 = arith.constant 0 : i32
    %dma_wait3A_67 = arith.constant 0 : i32
    %dma_wait3A_68 = tpu.memref_slice %arg2[%dma_wait3A_66, %dma_wait3A_67] : memref<10000x128xf32, #tpu.memory_space<hbm>> -> memref<80x128xf32, #tpu.memory_space<hbm>>
    %dma_wait3A_69 = arith.constant 0 : i32
    %dma_wait3A_70 = arith.constant 0 : i32
    %dma_wait3A_71 = tpu.memref_slice %arg2[%dma_wait3A_69, %dma_wait3A_70] : memref<10000x128xf32, #tpu.memory_space<hbm>> -> memref<80x128xf32, #tpu.memory_space<hbm>>
    tpu.wait_dma2 semaphore(%arg17 : memref<!tpu.dma_semaphore, #tpu.memory_space<semaphore_mem>>) src(%dma_wait3A_71 : memref<80x128xf32, #tpu.memory_space<hbm>>) dst(%arg10 : memref<80x128xf32, #tpu.memory_space<vmem>>)
    %dma_wait3A_72 = arith.constant 0 : i32
    %dma_wait3A_73 = arith.constant 0 : i32
    %dma_wait3A_74 = tpu.memref_slice %arg2[%dma_wait3A_72, %dma_wait3A_73] : memref<10000x128xf32, #tpu.memory_space<hbm>> -> memref<80x128xf32, #tpu.memory_space<hbm>>
    %dma_wait3A_75 = arith.constant 0 : i32
    %dma_wait3A_76 = arith.constant 0 : i32
    %dma_wait3A_77 = tpu.memref_slice %arg2[%dma_wait3A_75, %dma_wait3A_76] : memref<10000x128xf32, #tpu.memory_space<hbm>> -> memref<80x128xf32, #tpu.memory_space<hbm>>
    tpu.wait_dma2 semaphore(%arg13 : memref<!tpu.dma_semaphore, #tpu.memory_space<semaphore_mem>>) src(%dma_wait3A_77 : memref<80x128xf32, #tpu.memory_space<hbm>>) dst(%arg9 : memref<80x128xf32, #tpu.memory_space<vmem>>)
    %dma_start3A_78 = arith.constant 124 : i32
    %dma_start3A_79 = arith.constant 0 : i32
    %dma_start3A_80 = tpu.memref_slice %arg7[%dma_start3A_78, %dma_start3A_79] : memref<125x80xi32, #tpu.memory_space<vmem>> -> memref<1x80xi32, #tpu.memory_space<vmem>>
    %dma_start3A_81 = tpu.memref_squeeze %dma_start3A_80 : memref<1x80xi32, #tpu.memory_space<vmem>> -> memref<80xi32, #tpu.memory_space<vmem>>
    %dma_start3A_82 = arith.constant 0 : i32
    %dma_start3A_83 = arith.constant 0 : i32
    %dma_start3A_84 = tpu.memref_slice %arg11[%dma_start3A_82, %dma_start3A_83] : memref<10000x128xf32, #tpu.memory_space<vmem_shared>> -> memref<10000x128xf32, #tpu.memory_space<vmem_shared>>
    tpu.enqueue_indirect_dma source(%arg9 : memref<80x128xf32, #tpu.memory_space<vmem>>) target(%dma_start3A_84 : memref<10000x128xf32, #tpu.memory_space<vmem_shared>>) offsets(%dma_start3A_81 : memref<80xi32, #tpu.memory_space<vmem>>) semaphore(%arg16 : memref<!tpu.dma_semaphore, #tpu.memory_space<semaphore_mem>>) {add = true}
    %dma_wait3A_85 = arith.constant 0 : i32
    %dma_wait3A_86 = arith.constant 0 : i32
    %dma_wait3A_87 = tpu.memref_slice %arg2[%dma_wait3A_85, %dma_wait3A_86] : memref<10000x128xf32, #tpu.memory_space<hbm>> -> memref<80x128xf32, #tpu.memory_space<hbm>>
    %dma_wait3A_88 = arith.constant 0 : i32
    %dma_wait3A_89 = arith.constant 0 : i32
    %dma_wait3A_90 = tpu.memref_slice %arg2[%dma_wait3A_88, %dma_wait3A_89] : memref<10000x128xf32, #tpu.memory_space<hbm>> -> memref<80x128xf32, #tpu.memory_space<hbm>>
    tpu.wait_dma2 semaphore(%arg15 : memref<!tpu.dma_semaphore, #tpu.memory_space<semaphore_mem>>) src(%dma_wait3A_90 : memref<80x128xf32, #tpu.memory_space<hbm>>) dst(%arg8 : memref<80x128xf32, #tpu.memory_space<vmem>>)
    %dma_wait3A_91 = arith.constant 0 : i32
    %dma_wait3A_92 = arith.constant 0 : i32
    %dma_wait3A_93 = tpu.memref_slice %arg2[%dma_wait3A_91, %dma_wait3A_92] : memref<10000x128xf32, #tpu.memory_space<hbm>> -> memref<80x128xf32, #tpu.memory_space<hbm>>
    %dma_wait3A_94 = arith.constant 0 : i32
    %dma_wait3A_95 = arith.constant 0 : i32
    %dma_wait3A_96 = tpu.memref_slice %arg2[%dma_wait3A_94, %dma_wait3A_95] : memref<10000x128xf32, #tpu.memory_space<hbm>> -> memref<80x128xf32, #tpu.memory_space<hbm>>
    tpu.wait_dma2 semaphore(%arg16 : memref<!tpu.dma_semaphore, #tpu.memory_space<semaphore_mem>>) src(%dma_wait3A_96 : memref<80x128xf32, #tpu.memory_space<hbm>>) dst(%arg9 : memref<80x128xf32, #tpu.memory_space<vmem>>)
    %barrier3A_97 = arith.constant 0 : index
    tpu.barrier barrier_id(%barrier3A_97)
    %lt3A_98 = arith.constant 10 : i32
    %lt3A_99 = arith.cmpi slt, %arg1, %lt3A_98 : i32
    %convert_element_type3A_100 = arith.extui %lt3A_99 : i1 to i32
    %cond3A_101 = arith.constant 0 : i32
    %cond3A_102 = arith.cmpi ne, %convert_element_type3A_100, %cond3A_101 : i32
    scf.if %cond3A_102 {
      %mul3A_103 = arith.constant 1000 : i32
      %mul3A_104 = arith.muli %arg1, %mul3A_103 : i32
      %mul3A_105 = arith.constant 1000 : i32
      %mul3A_106 = arith.muli %arg1, %mul3A_105 : i32
      "tpu.region"() ({
        %run_scoped3A = tpu.sem_alloc : memref<!tpu.dma_semaphore, #tpu.memory_space<semaphore_mem>>
        %dma_start3A_107 = arith.constant 0 : i32
        %dma_start3A_108 = tpu.memref_slice %arg5[%arg0, %mul3A_106, %dma_start3A_107] : memref<2x10000x128xf32, #tpu.memory_space<hbm>> -> memref<1x1000x128xf32, #tpu.memory_space<hbm>>
        %dma_start3A_109 = tpu.memref_squeeze %dma_start3A_108 : memref<1x1000x128xf32, #tpu.memory_space<hbm>> -> memref<1000x128xf32, #tpu.memory_space<hbm>>
        %dma_start3A_110 = arith.constant 0 : i32
        %dma_start3A_111 = tpu.memref_slice %arg11[%mul3A_104, %dma_start3A_110] : memref<10000x128xf32, #tpu.memory_space<vmem_shared>> -> memref<1000x128xf32, #tpu.memory_space<vmem_shared>>
        tpu.enqueue_dma source(%dma_start3A_111 : memref<1000x128xf32, #tpu.memory_space<vmem_shared>>) target(%dma_start3A_109 : memref<1000x128xf32, #tpu.memory_space<hbm>>) target_semaphore(%run_scoped3A : memref<!tpu.dma_semaphore, #tpu.memory_space<semaphore_mem>>)
        %dma_wait3A_112 = arith.constant 0 : i32
        %dma_wait3A_113 = tpu.memref_slice %arg5[%arg0, %mul3A_106, %dma_wait3A_112] : memref<2x10000x128xf32, #tpu.memory_space<hbm>> -> memref<1x1000x128xf32, #tpu.memory_space<hbm>>
        %dma_wait3A_114 = tpu.memref_squeeze %dma_wait3A_113 : memref<1x1000x128xf32, #tpu.memory_space<hbm>> -> memref<1000x128xf32, #tpu.memory_space<hbm>>
        %dma_wait3A_115 = arith.constant 0 : i32
        %dma_wait3A_116 = tpu.memref_slice %arg11[%mul3A_104, %dma_wait3A_115] : memref<10000x128xf32, #tpu.memory_space<vmem_shared>> -> memref<1000x128xf32, #tpu.memory_space<vmem_shared>>
        tpu.wait_dma2 semaphore(%run_scoped3A : memref<!tpu.dma_semaphore, #tpu.memory_space<semaphore_mem>>) src(%dma_wait3A_116 : memref<1000x128xf32, #tpu.memory_space<vmem_shared>>) dst(%dma_wait3A_114 : memref<1000x128xf32, #tpu.memory_space<hbm>>)
        tpu.yield
      }) : () -> ()
    } else {
    }
    return
  }
}

#map = affine_map<(d0, d1) -> (0, 0)>
#map1 = affine_map<(d0, d1) -> (0, 0, 0)>
module attributes {stable_mosaic.version = 14 : i64} {
  func.func @_sc_scatter(%arg0: i32, %arg1: i32, %arg2: memref<10000x128xf32, #tpu.memory_space<hbm>>, %arg3: memref<32x125x80xi32, #tpu.memory_space<hbm>>, %arg4: memref<32x125x80xi32, #tpu.memory_space<hbm>>, %arg5: memref<2x10000x128xf32, #tpu.memory_space<hbm>>, %arg6: memref<125x80xi32, #tpu.memory_space<vmem>>, %arg7: memref<125x80xi32, #tpu.memory_space<vmem>>, %arg8: memref<80x128xf32, #tpu.memory_space<vmem>>, %arg9: memref<80x128xf32, #tpu.memory_space<vmem>>, %arg10: memref<80x128xf32, #tpu.memory_space<vmem>>, %arg11: memref<10000x128xf32, #tpu.memory_space<vmem_shared>>, %arg12: memref<!tpu.dma_semaphore, #tpu.memory_space<semaphore_mem>>, %arg13: memref<!tpu.dma_semaphore, #tpu.memory_space<semaphore_mem>>, %arg14: memref<!tpu.dma_semaphore, #tpu.memory_space<semaphore_mem>>, %arg15: memref<!tpu.dma_semaphore, #tpu.memory_space<semaphore_mem>>, %arg16: memref<!tpu.dma_semaphore, #tpu.memory_space<semaphore_mem>>, %arg17: memref<!tpu.dma_semaphore, #tpu.memory_space<semaphore_mem>>) attributes {dimension_semantics = [#tpu.dimension_semantics<core_parallel>, #tpu.dimension_semantics<subcore_parallel>], iteration_bounds = array<i64: 2, 16>, scalar_prefetch = 0 : i64, scratch_operands = 12 : i64, tpu.core_type = #tpu.core_type<sc_vector_subcore>, window_params = [{transform_indices = #map}, {transform_indices = #map1}, {transform_indices = #map1}, {transform_indices = #map1}]} {
    %mul3A = arith.constant 16 : i32
    %mul3A_0 = arith.muli %arg0, %mul3A : i32
    %add3A = arith.addi %mul3A_0, %arg1 : i32
    %dma_start3A = arith.constant 0 : i32
    %dma_start3A_1 = arith.constant 0 : i32
    %dma_start3A_2 = tpu.memref_slice %arg3[%add3A, %dma_start3A, %dma_start3A_1] : memref<32x125x80xi32, #tpu.memory_space<hbm>> -> memref<1x125x80xi32, #tpu.memory_space<hbm>>
    %dma_start3A_3 = tpu.memref_squeeze %dma_start3A_2 : memref<1x125x80xi32, #tpu.memory_space<hbm>> -> memref<125x80xi32, #tpu.memory_space<hbm>>
    %dma_start3A_4 = arith.constant 0 : i32
    %dma_start3A_5 = arith.constant 0 : i32
    %dma_start3A_6 = tpu.memref_slice %arg3[%add3A, %dma_start3A_4, %dma_start3A_5] : memref<32x125x80xi32, #tpu.memory_space<hbm>> -> memref<1x125x80xi32, #tpu.memory_space<hbm>>
    %dma_start3A_7 = tpu.memref_squeeze %dma_start3A_6 : memref<1x125x80xi32, #tpu.memory_space<hbm>> -> memref<125x80xi32, #tpu.memory_space<hbm>>
    tpu.enqueue_dma source(%dma_start3A_7 : memref<125x80xi32, #tpu.memory_space<hbm>>) target(%arg6 : memref<125x80xi32, #tpu.memory_space<vmem>>) target_semaphore(%arg12 : memref<!tpu.dma_semaphore, #tpu.memory_space<semaphore_mem>>)
    %dma_start3A_8 = arith.constant 0 : i32
    %dma_start3A_9 = arith.constant 0 : i32
    %dma_start3A_10 = tpu.memref_slice %arg4[%add3A, %dma_start3A_8, %dma_start3A_9] : memref<32x125x80xi32, #tpu.memory_space<hbm>> -> memref<1x125x80xi32, #tpu.memory_space<hbm>>
    %dma_start3A_11 = tpu.memref_squeeze %dma_start3A_10 : memref<1x125x80xi32, #tpu.memory_space<hbm>> -> memref<125x80xi32, #tpu.memory_space<hbm>>
    %dma_start3A_12 = arith.constant 0 : i32
    %dma_start3A_13 = arith.constant 0 : i32
    %dma_start3A_14 = tpu.memref_slice %arg4[%add3A, %dma_start3A_12, %dma_start3A_13] : memref<32x125x80xi32, #tpu.memory_space<hbm>> -> memref<1x125x80xi32, #tpu.memory_space<hbm>>
    %dma_start3A_15 = tpu.memref_squeeze %dma_start3A_14 : memref<1x125x80xi32, #tpu.memory_space<hbm>> -> memref<125x80xi32, #tpu.memory_space<hbm>>
    tpu.enqueue_dma source(%dma_start3A_15 : memref<125x80xi32, #tpu.memory_space<hbm>>) target(%arg7 : memref<125x80xi32, #tpu.memory_space<vmem>>) target_semaphore(%arg13 : memref<!tpu.dma_semaphore, #tpu.memory_space<semaphore_mem>>)
    %lt3A = arith.constant 10 : i32
    %lt3A_16 = arith.cmpi slt, %arg1, %lt3A : i32
    %convert_element_type3A = arith.extui %lt3A_16 : i1 to i32
    %cond3A = arith.constant 0 : i32
    %cond3A_17 = arith.cmpi ne, %convert_element_type3A, %cond3A : i32
    scf.if %cond3A_17 {
      %mul3A_103 = arith.constant 1000 : i32
      %mul3A_104 = arith.muli %arg1, %mul3A_103 : i32
      %mul3A_105 = arith.constant 1000 : i32
      %mul3A_106 = arith.muli %arg1, %mul3A_105 : i32
      "tpu.region"() ({
        %run_scoped3A = tpu.sem_alloc : memref<!tpu.dma_semaphore, #tpu.memory_space<semaphore_mem>>
        %dma_start3A_107 = arith.constant 0 : i32
        %dma_start3A_108 = tpu.memref_slice %arg11[%mul3A_106, %dma_start3A_107] : memref<10000x128xf32, #tpu.memory_space<vmem_shared>> -> memref<1000x128xf32, #tpu.memory_space<vmem_shared>>
        %dma_start3A_109 = arith.constant 0 : i32
        %dma_start3A_110 = tpu.memref_slice %arg2[%mul3A_104, %dma_start3A_109] : memref<10000x128xf32, #tpu.memory_space<hbm>> -> memref<1000x128xf32, #tpu.memory_space<hbm>>
        tpu.enqueue_dma source(%dma_start3A_110 : memref<1000x128xf32, #tpu.memory_space<hbm>>) target(%dma_start3A_108 : memref<1000x128xf32, #tpu.memory_space<vmem_shared>>) target_semaphore(%run_scoped3A : memref<!tpu.dma_semaphore, #tpu.memory_space<semaphore_mem>>)
        %dma_wait3A_111 = arith.constant 0 : i32
        %dma_wait3A_112 = tpu.memref_slice %arg11[%mul3A_106, %dma_wait3A_111] : memref<10000x128xf32, #tpu.memory_space<vmem_shared>> -> memref<1000x128xf32, #tpu.memory_space<vmem_shared>>
        %dma_wait3A_113 = arith.constant 0 : i32
        %dma_wait3A_114 = tpu.memref_slice %arg2[%mul3A_104, %dma_wait3A_113] : memref<10000x128xf32, #tpu.memory_space<hbm>> -> memref<1000x128xf32, #tpu.memory_space<hbm>>
        tpu.wait_dma2 semaphore(%run_scoped3A : memref<!tpu.dma_semaphore, #tpu.memory_space<semaphore_mem>>) src(%dma_wait3A_114 : memref<1000x128xf32, #tpu.memory_space<hbm>>) dst(%dma_wait3A_112 : memref<1000x128xf32, #tpu.memory_space<vmem_shared>>)
        tpu.yield
      }) : () -> ()
    } else {
    }
    %dma_wait3A = arith.constant 0 : i32
    %dma_wait3A_18 = arith.constant 0 : i32
    %dma_wait3A_19 = tpu.memref_slice %arg3[%add3A, %dma_wait3A, %dma_wait3A_18] : memref<32x125x80xi32, #tpu.memory_space<hbm>> -> memref<1x125x80xi32, #tpu.memory_space<hbm>>
    %dma_wait3A_20 = tpu.memref_squeeze %dma_wait3A_19 : memref<1x125x80xi32, #tpu.memory_space<hbm>> -> memref<125x80xi32, #tpu.memory_space<hbm>>
    %dma_wait3A_21 = arith.constant 0 : i32
    %dma_wait3A_22 = arith.constant 0 : i32
    %dma_wait3A_23 = tpu.memref_slice %arg3[%add3A, %dma_wait3A_21, %dma_wait3A_22] : memref<32x125x80xi32, #tpu.memory_space<hbm>> -> memref<1x125x80xi32, #tpu.memory_space<hbm>>
    %dma_wait3A_24 = tpu.memref_squeeze %dma_wait3A_23 : memref<1x125x80xi32, #tpu.memory_space<hbm>> -> memref<125x80xi32, #tpu.memory_space<hbm>>
    tpu.wait_dma2 semaphore(%arg12 : memref<!tpu.dma_semaphore, #tpu.memory_space<semaphore_mem>>) src(%dma_wait3A_24 : memref<125x80xi32, #tpu.memory_space<hbm>>) dst(%arg6 : memref<125x80xi32, #tpu.memory_space<vmem>>)
    %dma_wait3A_25 = arith.constant 0 : i32
    %dma_wait3A_26 = arith.constant 0 : i32
    %dma_wait3A_27 = tpu.memref_slice %arg4[%add3A, %dma_wait3A_25, %dma_wait3A_26] : memref<32x125x80xi32, #tpu.memory_space<hbm>> -> memref<1x125x80xi32, #tpu.memory_space<hbm>>
    %dma_wait3A_28 = tpu.memref_squeeze %dma_wait3A_27 : memref<1x125x80xi32, #tpu.memory_space<hbm>> -> memref<125x80xi32, #tpu.memory_space<hbm>>
    %dma_wait3A_29 = arith.constant 0 : i32
    %dma_wait3A_30 = arith.constant 0 : i32
    %dma_wait3A_31 = tpu.memref_slice %arg4[%add3A, %dma_wait3A_29, %dma_wait3A_30] : memref<32x125x80xi32, #tpu.memory_space<hbm>> -> memref<1x125x80xi32, #tpu.memory_space<hbm>>
    %dma_wait3A_32 = tpu.memref_squeeze %dma_wait3A_31 : memref<1x125x80xi32, #tpu.memory_space<hbm>> -> memref<125x80xi32, #tpu.memory_space<hbm>>
    tpu.wait_dma2 semaphore(%arg13 : memref<!tpu.dma_semaphore, #tpu.memory_space<semaphore_mem>>) src(%dma_wait3A_32 : memref<125x80xi32, #tpu.memory_space<hbm>>) dst(%arg7 : memref<125x80xi32, #tpu.memory_space<vmem>>)
    %barrier3A = arith.constant 0 : index
    tpu.barrier barrier_id(%barrier3A)
    %dma_start3A_33 = arith.constant 0 : i32
    %dma_start3A_34 = arith.constant 0 : i32
    %dma_start3A_35 = tpu.memref_slice %arg6[%dma_start3A_33, %dma_start3A_34] : memref<125x80xi32, #tpu.memory_space<vmem>> -> memref<1x80xi32, #tpu.memory_space<vmem>>
    %dma_start3A_36 = tpu.memref_squeeze %dma_start3A_35 : memref<1x80xi32, #tpu.memory_space<vmem>> -> memref<80xi32, #tpu.memory_space<vmem>>
    %dma_start3A_37 = arith.constant 0 : i32
    %dma_start3A_38 = arith.constant 0 : i32
    %dma_start3A_39 = tpu.memref_slice %arg2[%dma_start3A_37, %dma_start3A_38] : memref<10000x128xf32, #tpu.memory_space<hbm>> -> memref<10000x128xf32, #tpu.memory_space<hbm>>
    tpu.enqueue_indirect_dma source(%dma_start3A_39 : memref<10000x128xf32, #tpu.memory_space<hbm>>) target(%arg8 : memref<80x128xf32, #tpu.memory_space<vmem>>) offsets(%dma_start3A_36 : memref<80xi32, #tpu.memory_space<vmem>>) semaphore(%arg12 : memref<!tpu.dma_semaphore, #tpu.memory_space<semaphore_mem>>)
    %dma_start3A_40 = arith.constant 1 : i32
    %dma_start3A_41 = arith.constant 0 : i32
    %dma_start3A_42 = tpu.memref_slice %arg6[%dma_start3A_40, %dma_start3A_41] : memref<125x80xi32, #tpu.memory_space<vmem>> -> memref<1x80xi32, #tpu.memory_space<vmem>>
    %dma_start3A_43 = tpu.memref_squeeze %dma_start3A_42 : memref<1x80xi32, #tpu.memory_space<vmem>> -> memref<80xi32, #tpu.memory_space<vmem>>
    %dma_start3A_44 = arith.constant 0 : i32
    %dma_start3A_45 = arith.constant 0 : i32
    %dma_start3A_46 = tpu.memref_slice %arg2[%dma_start3A_44, %dma_start3A_45] : memref<10000x128xf32, #tpu.memory_space<hbm>> -> memref<10000x128xf32, #tpu.memory_space<hbm>>
    tpu.enqueue_indirect_dma source(%dma_start3A_46 : memref<10000x128xf32, #tpu.memory_space<hbm>>) target(%arg9 : memref<80x128xf32, #tpu.memory_space<vmem>>) offsets(%dma_start3A_43 : memref<80xi32, #tpu.memory_space<vmem>>) semaphore(%arg13 : memref<!tpu.dma_semaphore, #tpu.memory_space<semaphore_mem>>)
    %scan3A = arith.constant 0 : i32
    %scan3A_47 = arith.constant 0 : i32
    %scan3A_48 = arith.constant 41 : i32
    %scan3A_49 = arith.addi %scan3A_47, %scan3A_48 : i32
    %scan3A_50 = arith.constant 1 : i32
    %scan3A_51 = scf.for %scan3A_103 = %scan3A_47 to %scan3A_49 step %scan3A_50 iter_args(%scan3A_104 = %scan3A) -> (i32)  : i32 {
      %mul3A_105 = arith.constant 3 : i32
      %mul3A_106 = arith.muli %mul3A_105, %scan3A_103 : i32
      %dma_wait3A_107 = arith.constant 0 : i32
      %dma_wait3A_108 = arith.constant 0 : i32
      %dma_wait3A_109 = tpu.memref_slice %arg2[%dma_wait3A_107, %dma_wait3A_108] : memref<10000x128xf32, #tpu.memory_space<hbm>> -> memref<80x128xf32, #tpu.memory_space<hbm>>
      %dma_wait3A_110 = arith.constant 0 : i32
      %dma_wait3A_111 = arith.constant 0 : i32
      %dma_wait3A_112 = tpu.memref_slice %arg2[%dma_wait3A_110, %dma_wait3A_111] : memref<10000x128xf32, #tpu.memory_space<hbm>> -> memref<80x128xf32, #tpu.memory_space<hbm>>
      tpu.wait_dma2 semaphore(%arg12 : memref<!tpu.dma_semaphore, #tpu.memory_space<semaphore_mem>>) src(%dma_wait3A_112 : memref<80x128xf32, #tpu.memory_space<hbm>>) dst(%arg8 : memref<80x128xf32, #tpu.memory_space<vmem>>)
      %dma_start3A_113 = arith.constant 0 : i32
      %dma_start3A_114 = tpu.memref_slice %arg7[%mul3A_106, %dma_start3A_113] : memref<125x80xi32, #tpu.memory_space<vmem>> -> memref<1x80xi32, #tpu.memory_space<vmem>>
      %dma_start3A_115 = tpu.memref_squeeze %dma_start3A_114 : memref<1x80xi32, #tpu.memory_space<vmem>> -> memref<80xi32, #tpu.memory_space<vmem>>
      %dma_start3A_116 = arith.constant 0 : i32
      %dma_start3A_117 = arith.constant 0 : i32
      %dma_start3A_118 = tpu.memref_slice %arg11[%dma_start3A_116, %dma_start3A_117] : memref<10000x128xf32, #tpu.memory_space<vmem_shared>> -> memref<10000x128xf32, #tpu.memory_space<vmem_shared>>
      tpu.enqueue_indirect_dma source(%arg8 : memref<80x128xf32, #tpu.memory_space<vmem>>) target(%dma_start3A_118 : memref<10000x128xf32, #tpu.memory_space<vmem_shared>>) offsets(%dma_start3A_115 : memref<80xi32, #tpu.memory_space<vmem>>) semaphore(%arg15 : memref<!tpu.dma_semaphore, #tpu.memory_space<semaphore_mem>>) {add = true}
      %gt3A = arith.constant 0 : i32
      %gt3A_119 = arith.cmpi sgt, %scan3A_103, %gt3A : i32
      %convert_element_type3A_120 = arith.extui %gt3A_119 : i1 to i32
      %cond3A_121 = arith.constant 0 : i32
      %cond3A_122 = arith.cmpi ne, %convert_element_type3A_120, %cond3A_121 : i32
      scf.if %cond3A_122 {
        %dma_wait3A_188 = arith.constant 0 : i32
        %dma_wait3A_189 = arith.constant 0 : i32
        %dma_wait3A_190 = tpu.memref_slice %arg2[%dma_wait3A_188, %dma_wait3A_189] : memref<10000x128xf32, #tpu.memory_space<hbm>> -> memref<80x128xf32, #tpu.memory_space<hbm>>
        %dma_wait3A_191 = arith.constant 0 : i32
        %dma_wait3A_192 = arith.constant 0 : i32
        %dma_wait3A_193 = tpu.memref_slice %arg2[%dma_wait3A_191, %dma_wait3A_192] : memref<10000x128xf32, #tpu.memory_space<hbm>> -> memref<80x128xf32, #tpu.memory_space<hbm>>
        tpu.wait_dma2 semaphore(%arg17 : memref<!tpu.dma_semaphore, #tpu.memory_space<semaphore_mem>>) src(%dma_wait3A_193 : memref<80x128xf32, #tpu.memory_space<hbm>>) dst(%arg10 : memref<80x128xf32, #tpu.memory_space<vmem>>)
      } else {
      }
      %add3A_123 = arith.constant 2 : i32
      %add3A_124 = arith.addi %mul3A_106, %add3A_123 : i32
      %dma_start3A_125 = arith.constant 0 : i32
      %dma_start3A_126 = tpu.memref_slice %arg6[%add3A_124, %dma_start3A_125] : memref<125x80xi32, #tpu.memory_space<vmem>> -> memref<1x80xi32, #tpu.memory_space<vmem>>
      %dma_start3A_127 = tpu.memref_squeeze %dma_start3A_126 : memref<1x80xi32, #tpu.memory_space<vmem>> -> memref<80xi32, #tpu.memory_space<vmem>>
      %dma_start3A_128 = arith.constant 0 : i32
      %dma_start3A_129 = arith.constant 0 : i32
      %dma_start3A_130 = tpu.memref_slice %arg2[%dma_start3A_128, %dma_start3A_129] : memref<10000x128xf32, #tpu.memory_space<hbm>> -> memref<10000x128xf32, #tpu.memory_space<hbm>>
      tpu.enqueue_indirect_dma source(%dma_start3A_130 : memref<10000x128xf32, #tpu.memory_space<hbm>>) target(%arg10 : memref<80x128xf32, #tpu.memory_space<vmem>>) offsets(%dma_start3A_127 : memref<80xi32, #tpu.memory_space<vmem>>) semaphore(%arg14 : memref<!tpu.dma_semaphore, #tpu.memory_space<semaphore_mem>>)
      %dma_wait3A_131 = arith.constant 0 : i32
      %dma_wait3A_132 = arith.constant 0 : i32
      %dma_wait3A_133 = tpu.memref_slice %arg2[%dma_wait3A_131, %dma_wait3A_132] : memref<10000x128xf32, #tpu.memory_space<hbm>> -> memref<80x128xf32, #tpu.memory_space<hbm>>
      %dma_wait3A_134 = arith.constant 0 : i32
      %dma_wait3A_135 = arith.constant 0 : i32
      %dma_wait3A_136 = tpu.memref_slice %arg2[%dma_wait3A_134, %dma_wait3A_135] : memref<10000x128xf32, #tpu.memory_space<hbm>> -> memref<80x128xf32, #tpu.memory_space<hbm>>
      tpu.wait_dma2 semaphore(%arg13 : memref<!tpu.dma_semaphore, #tpu.memory_space<semaphore_mem>>) src(%dma_wait3A_136 : memref<80x128xf32, #tpu.memory_space<hbm>>) dst(%arg9 : memref<80x128xf32, #tpu.memory_space<vmem>>)
      %add3A_137 = arith.constant 1 : i32
      %add3A_138 = arith.addi %mul3A_106, %add3A_137 : i32
      %dma_start3A_139 = arith.constant 0 : i32
      %dma_start3A_140 = tpu.memref_slice %arg7[%add3A_138, %dma_start3A_139] : memref<125x80xi32, #tpu.memory_space<vmem>> -> memref<1x80xi32, #tpu.memory_space<vmem>>
      %dma_start3A_141 = tpu.memref_squeeze %dma_start3A_140 : memref<1x80xi32, #tpu.memory_space<vmem>> -> memref<80xi32, #tpu.memory_space<vmem>>
      %dma_start3A_142 = arith.constant 0 : i32
      %dma_start3A_143 = arith.constant 0 : i32
      %dma_start3A_144 = tpu.memref_slice %arg11[%dma_start3A_142, %dma_start3A_143] : memref<10000x128xf32, #tpu.memory_space<vmem_shared>> -> memref<10000x128xf32, #tpu.memory_space<vmem_shared>>
      tpu.enqueue_indirect_dma source(%arg9 : memref<80x128xf32, #tpu.memory_space<vmem>>) target(%dma_start3A_144 : memref<10000x128xf32, #tpu.memory_space<vmem_shared>>) offsets(%dma_start3A_141 : memref<80xi32, #tpu.memory_space<vmem>>) semaphore(%arg16 : memref<!tpu.dma_semaphore, #tpu.memory_space<semaphore_mem>>) {add = true}
      %dma_wait3A_145 = arith.constant 0 : i32
      %dma_wait3A_146 = arith.constant 0 : i32
      %dma_wait3A_147 = tpu.memref_slice %arg2[%dma_wait3A_145, %dma_wait3A_146] : memref<10000x128xf32, #tpu.memory_space<hbm>> -> memref<80x128xf32, #tpu.memory_space<hbm>>
      %dma_wait3A_148 = arith.constant 0 : i32
      %dma_wait3A_149 = arith.constant 0 : i32
      %dma_wait3A_150 = tpu.memref_slice %arg2[%dma_wait3A_148, %dma_wait3A_149] : memref<10000x128xf32, #tpu.memory_space<hbm>> -> memref<80x128xf32, #tpu.memory_space<hbm>>
      tpu.wait_dma2 semaphore(%arg15 : memref<!tpu.dma_semaphore, #tpu.memory_space<semaphore_mem>>) src(%dma_wait3A_150 : memref<80x128xf32, #tpu.memory_space<hbm>>) dst(%arg8 : memref<80x128xf32, #tpu.memory_space<vmem>>)
      %add3A_151 = arith.constant 3 : i32
      %add3A_152 = arith.addi %mul3A_106, %add3A_151 : i32
      %dma_start3A_153 = arith.constant 0 : i32
      %dma_start3A_154 = tpu.memref_slice %arg6[%add3A_152, %dma_start3A_153] : memref<125x80xi32, #tpu.memory_space<vmem>> -> memref<1x80xi32, #tpu.memory_space<vmem>>
      %dma_start3A_155 = tpu.memref_squeeze %dma_start3A_154 : memref<1x80xi32, #tpu.memory_space<vmem>> -> memref<80xi32, #tpu.memory_space<vmem>>
      %dma_start3A_156 = arith.constant 0 : i32
      %dma_start3A_157 = arith.constant 0 : i32
      %dma_start3A_158 = tpu.memref_slice %arg2[%dma_start3A_156, %dma_start3A_157] : memref<10000x128xf32, #tpu.memory_space<hbm>> -> memref<10000x128xf32, #tpu.memory_space<hbm>>
      tpu.enqueue_indirect_dma source(%dma_start3A_158 : memref<10000x128xf32, #tpu.memory_space<hbm>>) target(%arg8 : memref<80x128xf32, #tpu.memory_space<vmem>>) offsets(%dma_start3A_155 : memref<80xi32, #tpu.memory_space<vmem>>) semaphore(%arg12 : memref<!tpu.dma_semaphore, #tpu.memory_space<semaphore_mem>>)
      %dma_wait3A_159 = arith.constant 0 : i32
      %dma_wait3A_160 = arith.constant 0 : i32
      %dma_wait3A_161 = tpu.memref_slice %arg2[%dma_wait3A_159, %dma_wait3A_160] : memref<10000x128xf32, #tpu.memory_space<hbm>> -> memref<80x128xf32, #tpu.memory_space<hbm>>
      %dma_wait3A_162 = arith.constant 0 : i32
      %dma_wait3A_163 = arith.constant 0 : i32
      %dma_wait3A_164 = tpu.memref_slice %arg2[%dma_wait3A_162, %dma_wait3A_163] : memref<10000x128xf32, #tpu.memory_space<hbm>> -> memref<80x128xf32, #tpu.memory_space<hbm>>
      tpu.wait_dma2 semaphore(%arg14 : memref<!tpu.dma_semaphore, #tpu.memory_space<semaphore_mem>>) src(%dma_wait3A_164 : memref<80x128xf32, #tpu.memory_space<hbm>>) dst(%arg10 : memref<80x128xf32, #tpu.memory_space<vmem>>)
      %add3A_165 = arith.constant 2 : i32
      %add3A_166 = arith.addi %mul3A_106, %add3A_165 : i32
      %dma_start3A_167 = arith.constant 0 : i32
      %dma_start3A_168 = tpu.memref_slice %arg7[%add3A_166, %dma_start3A_167] : memref<125x80xi32, #tpu.memory_space<vmem>> -> memref<1x80xi32, #tpu.memory_space<vmem>>
      %dma_start3A_169 = tpu.memref_squeeze %dma_start3A_168 : memref<1x80xi32, #tpu.memory_space<vmem>> -> memref<80xi32, #tpu.memory_space<vmem>>
      %dma_start3A_170 = arith.constant 0 : i32
      %dma_start3A_171 = arith.constant 0 : i32
      %dma_start3A_172 = tpu.memref_slice %arg11[%dma_start3A_170, %dma_start3A_171] : memref<10000x128xf32, #tpu.memory_space<vmem_shared>> -> memref<10000x128xf32, #tpu.memory_space<vmem_shared>>
      tpu.enqueue_indirect_dma source(%arg10 : memref<80x128xf32, #tpu.memory_space<vmem>>) target(%dma_start3A_172 : memref<10000x128xf32, #tpu.memory_space<vmem_shared>>) offsets(%dma_start3A_169 : memref<80xi32, #tpu.memory_space<vmem>>) semaphore(%arg17 : memref<!tpu.dma_semaphore, #tpu.memory_space<semaphore_mem>>) {add = true}
      %dma_wait3A_173 = arith.constant 0 : i32
      %dma_wait3A_174 = arith.constant 0 : i32
      %dma_wait3A_175 = tpu.memref_slice %arg2[%dma_wait3A_173, %dma_wait3A_174] : memref<10000x128xf32, #tpu.memory_space<hbm>> -> memref<80x128xf32, #tpu.memory_space<hbm>>
      %dma_wait3A_176 = arith.constant 0 : i32
      %dma_wait3A_177 = arith.constant 0 : i32
      %dma_wait3A_178 = tpu.memref_slice %arg2[%dma_wait3A_176, %dma_wait3A_177] : memref<10000x128xf32, #tpu.memory_space<hbm>> -> memref<80x128xf32, #tpu.memory_space<hbm>>
      tpu.wait_dma2 semaphore(%arg16 : memref<!tpu.dma_semaphore, #tpu.memory_space<semaphore_mem>>) src(%dma_wait3A_178 : memref<80x128xf32, #tpu.memory_space<hbm>>) dst(%arg9 : memref<80x128xf32, #tpu.memory_space<vmem>>)
      %add3A_179 = arith.constant 4 : i32
      %add3A_180 = arith.addi %mul3A_106, %add3A_179 : i32
      %dma_start3A_181 = arith.constant 0 : i32
      %dma_start3A_182 = tpu.memref_slice %arg6[%add3A_180, %dma_start3A_181] : memref<125x80xi32, #tpu.memory_space<vmem>> -> memref<1x80xi32, #tpu.memory_space<vmem>>
      %dma_start3A_183 = tpu.memref_squeeze %dma_start3A_182 : memref<1x80xi32, #tpu.memory_space<vmem>> -> memref<80xi32, #tpu.memory_space<vmem>>
      %dma_start3A_184 = arith.constant 0 : i32
      %dma_start3A_185 = arith.constant 0 : i32
      %dma_start3A_186 = tpu.memref_slice %arg2[%dma_start3A_184, %dma_start3A_185] : memref<10000x128xf32, #tpu.memory_space<hbm>> -> memref<10000x128xf32, #tpu.memory_space<hbm>>
      tpu.enqueue_indirect_dma source(%dma_start3A_186 : memref<10000x128xf32, #tpu.memory_space<hbm>>) target(%arg9 : memref<80x128xf32, #tpu.memory_space<vmem>>) offsets(%dma_start3A_183 : memref<80xi32, #tpu.memory_space<vmem>>) semaphore(%arg13 : memref<!tpu.dma_semaphore, #tpu.memory_space<semaphore_mem>>)
      %scan3A_187 = arith.constant 0 : i32
      scf.yield %scan3A_187 : i32
    }
    %scan3A_52 = arith.constant 41 : i32
    %dma_wait3A_53 = arith.constant 0 : i32
    %dma_wait3A_54 = arith.constant 0 : i32
    %dma_wait3A_55 = tpu.memref_slice %arg2[%dma_wait3A_53, %dma_wait3A_54] : memref<10000x128xf32, #tpu.memory_space<hbm>> -> memref<80x128xf32, #tpu.memory_space<hbm>>
    %dma_wait3A_56 = arith.constant 0 : i32
    %dma_wait3A_57 = arith.constant 0 : i32
    %dma_wait3A_58 = tpu.memref_slice %arg2[%dma_wait3A_56, %dma_wait3A_57] : memref<10000x128xf32, #tpu.memory_space<hbm>> -> memref<80x128xf32, #tpu.memory_space<hbm>>
    tpu.wait_dma2 semaphore(%arg12 : memref<!tpu.dma_semaphore, #tpu.memory_space<semaphore_mem>>) src(%dma_wait3A_58 : memref<80x128xf32, #tpu.memory_space<hbm>>) dst(%arg8 : memref<80x128xf32, #tpu.memory_space<vmem>>)
    %dma_start3A_59 = arith.constant 123 : i32
    %dma_start3A_60 = arith.constant 0 : i32
    %dma_start3A_61 = tpu.memref_slice %arg7[%dma_start3A_59, %dma_start3A_60] : memref<125x80xi32, #tpu.memory_space<vmem>> -> memref<1x80xi32, #tpu.memory_space<vmem>>
    %dma_start3A_62 = tpu.memref_squeeze %dma_start3A_61 : memref<1x80xi32, #tpu.memory_space<vmem>> -> memref<80xi32, #tpu.memory_space<vmem>>
    %dma_start3A_63 = arith.constant 0 : i32
    %dma_start3A_64 = arith.constant 0 : i32
    %dma_start3A_65 = tpu.memref_slice %arg11[%dma_start3A_63, %dma_start3A_64] : memref<10000x128xf32, #tpu.memory_space<vmem_shared>> -> memref<10000x128xf32, #tpu.memory_space<vmem_shared>>
    tpu.enqueue_indirect_dma source(%arg8 : memref<80x128xf32, #tpu.memory_space<vmem>>) target(%dma_start3A_65 : memref<10000x128xf32, #tpu.memory_space<vmem_shared>>) offsets(%dma_start3A_62 : memref<80xi32, #tpu.memory_space<vmem>>) semaphore(%arg15 : memref<!tpu.dma_semaphore, #tpu.memory_space<semaphore_mem>>) {add = true}
    %dma_wait3A_66 = arith.constant 0 : i32
    %dma_wait3A_67 = arith.constant 0 : i32
    %dma_wait3A_68 = tpu.memref_slice %arg2[%dma_wait3A_66, %dma_wait3A_67] : memref<10000x128xf32, #tpu.memory_space<hbm>> -> memref<80x128xf32, #tpu.memory_space<hbm>>
    %dma_wait3A_69 = arith.constant 0 : i32
    %dma_wait3A_70 = arith.constant 0 : i32
    %dma_wait3A_71 = tpu.memref_slice %arg2[%dma_wait3A_69, %dma_wait3A_70] : memref<10000x128xf32, #tpu.memory_space<hbm>> -> memref<80x128xf32, #tpu.memory_space<hbm>>
    tpu.wait_dma2 semaphore(%arg17 : memref<!tpu.dma_semaphore, #tpu.memory_space<semaphore_mem>>) src(%dma_wait3A_71 : memref<80x128xf32, #tpu.memory_space<hbm>>) dst(%arg10 : memref<80x128xf32, #tpu.memory_space<vmem>>)
    %dma_wait3A_72 = arith.constant 0 : i32
    %dma_wait3A_73 = arith.constant 0 : i32
    %dma_wait3A_74 = tpu.memref_slice %arg2[%dma_wait3A_72, %dma_wait3A_73] : memref<10000x128xf32, #tpu.memory_space<hbm>> -> memref<80x128xf32, #tpu.memory_space<hbm>>
    %dma_wait3A_75 = arith.constant 0 : i32
    %dma_wait3A_76 = arith.constant 0 : i32
    %dma_wait3A_77 = tpu.memref_slice %arg2[%dma_wait3A_75, %dma_wait3A_76] : memref<10000x128xf32, #tpu.memory_space<hbm>> -> memref<80x128xf32, #tpu.memory_space<hbm>>
    tpu.wait_dma2 semaphore(%arg13 : memref<!tpu.dma_semaphore, #tpu.memory_space<semaphore_mem>>) src(%dma_wait3A_77 : memref<80x128xf32, #tpu.memory_space<hbm>>) dst(%arg9 : memref<80x128xf32, #tpu.memory_space<vmem>>)
    %dma_start3A_78 = arith.constant 124 : i32
    %dma_start3A_79 = arith.constant 0 : i32
    %dma_start3A_80 = tpu.memref_slice %arg7[%dma_start3A_78, %dma_start3A_79] : memref<125x80xi32, #tpu.memory_space<vmem>> -> memref<1x80xi32, #tpu.memory_space<vmem>>
    %dma_start3A_81 = tpu.memref_squeeze %dma_start3A_80 : memref<1x80xi32, #tpu.memory_space<vmem>> -> memref<80xi32, #tpu.memory_space<vmem>>
    %dma_start3A_82 = arith.constant 0 : i32
    %dma_start3A_83 = arith.constant 0 : i32
    %dma_start3A_84 = tpu.memref_slice %arg11[%dma_start3A_82, %dma_start3A_83] : memref<10000x128xf32, #tpu.memory_space<vmem_shared>> -> memref<10000x128xf32, #tpu.memory_space<vmem_shared>>
    tpu.enqueue_indirect_dma source(%arg9 : memref<80x128xf32, #tpu.memory_space<vmem>>) target(%dma_start3A_84 : memref<10000x128xf32, #tpu.memory_space<vmem_shared>>) offsets(%dma_start3A_81 : memref<80xi32, #tpu.memory_space<vmem>>) semaphore(%arg16 : memref<!tpu.dma_semaphore, #tpu.memory_space<semaphore_mem>>) {add = true}
    %dma_wait3A_85 = arith.constant 0 : i32
    %dma_wait3A_86 = arith.constant 0 : i32
    %dma_wait3A_87 = tpu.memref_slice %arg2[%dma_wait3A_85, %dma_wait3A_86] : memref<10000x128xf32, #tpu.memory_space<hbm>> -> memref<80x128xf32, #tpu.memory_space<hbm>>
    %dma_wait3A_88 = arith.constant 0 : i32
    %dma_wait3A_89 = arith.constant 0 : i32
    %dma_wait3A_90 = tpu.memref_slice %arg2[%dma_wait3A_88, %dma_wait3A_89] : memref<10000x128xf32, #tpu.memory_space<hbm>> -> memref<80x128xf32, #tpu.memory_space<hbm>>
    tpu.wait_dma2 semaphore(%arg15 : memref<!tpu.dma_semaphore, #tpu.memory_space<semaphore_mem>>) src(%dma_wait3A_90 : memref<80x128xf32, #tpu.memory_space<hbm>>) dst(%arg8 : memref<80x128xf32, #tpu.memory_space<vmem>>)
    %dma_wait3A_91 = arith.constant 0 : i32
    %dma_wait3A_92 = arith.constant 0 : i32
    %dma_wait3A_93 = tpu.memref_slice %arg2[%dma_wait3A_91, %dma_wait3A_92] : memref<10000x128xf32, #tpu.memory_space<hbm>> -> memref<80x128xf32, #tpu.memory_space<hbm>>
    %dma_wait3A_94 = arith.constant 0 : i32
    %dma_wait3A_95 = arith.constant 0 : i32
    %dma_wait3A_96 = tpu.memref_slice %arg2[%dma_wait3A_94, %dma_wait3A_95] : memref<10000x128xf32, #tpu.memory_space<hbm>> -> memref<80x128xf32, #tpu.memory_space<hbm>>
    tpu.wait_dma2 semaphore(%arg16 : memref<!tpu.dma_semaphore, #tpu.memory_space<semaphore_mem>>) src(%dma_wait3A_96 : memref<80x128xf32, #tpu.memory_space<hbm>>) dst(%arg9 : memref<80x128xf32, #tpu.memory_space<vmem>>)
    %barrier3A_97 = arith.constant 0 : index
    tpu.barrier barrier_id(%barrier3A_97)
    %lt3A_98 = arith.constant 10 : i32
    %lt3A_99 = arith.cmpi slt, %arg1, %lt3A_98 : i32
    %convert_element_type3A_100 = arith.extui %lt3A_99 : i1 to i32
    %cond3A_101 = arith.constant 0 : i32
    %cond3A_102 = arith.cmpi ne, %convert_element_type3A_100, %cond3A_101 : i32
    scf.if %cond3A_102 {
      %mul3A_103 = arith.constant 1000 : i32
      %mul3A_104 = arith.muli %arg1, %mul3A_103 : i32
      %mul3A_105 = arith.constant 1000 : i32
      %mul3A_106 = arith.muli %arg1, %mul3A_105 : i32
      "tpu.region"() ({
        %run_scoped3A = tpu.sem_alloc : memref<!tpu.dma_semaphore, #tpu.memory_space<semaphore_mem>>
        %dma_start3A_107 = arith.constant 0 : i32
        %dma_start3A_108 = tpu.memref_slice %arg5[%arg0, %mul3A_106, %dma_start3A_107] : memref<2x10000x128xf32, #tpu.memory_space<hbm>> -> memref<1x1000x128xf32, #tpu.memory_space<hbm>>
        %dma_start3A_109 = tpu.memref_squeeze %dma_start3A_108 : memref<1x1000x128xf32, #tpu.memory_space<hbm>> -> memref<1000x128xf32, #tpu.memory_space<hbm>>
        %dma_start3A_110 = arith.constant 0 : i32
        %dma_start3A_111 = tpu.memref_slice %arg11[%mul3A_104, %dma_start3A_110] : memref<10000x128xf32, #tpu.memory_space<vmem_shared>> -> memref<1000x128xf32, #tpu.memory_space<vmem_shared>>
        tpu.enqueue_dma source(%dma_start3A_111 : memref<1000x128xf32, #tpu.memory_space<vmem_shared>>) target(%dma_start3A_109 : memref<1000x128xf32, #tpu.memory_space<hbm>>) target_semaphore(%run_scoped3A : memref<!tpu.dma_semaphore, #tpu.memory_space<semaphore_mem>>)
        %dma_wait3A_112 = arith.constant 0 : i32
        %dma_wait3A_113 = tpu.memref_slice %arg5[%arg0, %mul3A_106, %dma_wait3A_112] : memref<2x10000x128xf32, #tpu.memory_space<hbm>> -> memref<1x1000x128xf32, #tpu.memory_space<hbm>>
        %dma_wait3A_114 = tpu.memref_squeeze %dma_wait3A_113 : memref<1x1000x128xf32, #tpu.memory_space<hbm>> -> memref<1000x128xf32, #tpu.memory_space<hbm>>
        %dma_wait3A_115 = arith.constant 0 : i32
        %dma_wait3A_116 = tpu.memref_slice %arg11[%mul3A_104, %dma_wait3A_115] : memref<10000x128xf32, #tpu.memory_space<vmem_shared>> -> memref<1000x128xf32, #tpu.memory_space<vmem_shared>>
        tpu.wait_dma2 semaphore(%run_scoped3A : memref<!tpu.dma_semaphore, #tpu.memory_space<semaphore_mem>>) src(%dma_wait3A_116 : memref<1000x128xf32, #tpu.memory_space<vmem_shared>>) dst(%dma_wait3A_114 : memref<1000x128xf32, #tpu.memory_space<hbm>>)
        tpu.yield
      }) : () -> ()
    } else {
    }
    return
  }
}

#map = affine_map<(d0, d1) -> (0, 0, 0)>
module attributes {stable_mosaic.version = 14 : i64} {
  func.func @_sc_degree(%arg0: i32, %arg1: i32, %arg2: memref<32x125x80xi32, #tpu.memory_space<hbm>>, %arg3: memref<2x10000x16xf32, #tpu.memory_space<hbm>>, %arg4: memref<125x80xi32, #tpu.memory_space<vmem>>, %arg5: memref<80x16xf32, #tpu.memory_space<vmem>>, %arg6: memref<1000x16xf32, #tpu.memory_space<vmem>>, %arg7: memref<10000x16xf32, #tpu.memory_space<vmem_shared>>, %arg8: memref<!tpu.dma_semaphore, #tpu.memory_space<semaphore_mem>>) attributes {dimension_semantics = [#tpu.dimension_semantics<core_parallel>, #tpu.dimension_semantics<subcore_parallel>], iteration_bounds = array<i64: 2, 16>, scalar_prefetch = 0 : i64, scratch_operands = 5 : i64, tpu.core_type = #tpu.core_type<sc_vector_subcore>, window_params = [{transform_indices = #map}, {transform_indices = #map}]} {
    %mul3A = arith.constant 16 : i32
    %mul3A_0 = arith.muli %arg0, %mul3A : i32
    %add3A = arith.addi %mul3A_0, %arg1 : i32
    %dma_start3A = arith.constant 0 : i32
    %dma_start3A_1 = arith.constant 0 : i32
    %dma_start3A_2 = tpu.memref_slice %arg2[%add3A, %dma_start3A, %dma_start3A_1] : memref<32x125x80xi32, #tpu.memory_space<hbm>> -> memref<1x125x80xi32, #tpu.memory_space<hbm>>
    %dma_start3A_3 = tpu.memref_squeeze %dma_start3A_2 : memref<1x125x80xi32, #tpu.memory_space<hbm>> -> memref<125x80xi32, #tpu.memory_space<hbm>>
    %dma_start3A_4 = arith.constant 0 : i32
    %dma_start3A_5 = arith.constant 0 : i32
    %dma_start3A_6 = tpu.memref_slice %arg2[%add3A, %dma_start3A_4, %dma_start3A_5] : memref<32x125x80xi32, #tpu.memory_space<hbm>> -> memref<1x125x80xi32, #tpu.memory_space<hbm>>
    %dma_start3A_7 = tpu.memref_squeeze %dma_start3A_6 : memref<1x125x80xi32, #tpu.memory_space<hbm>> -> memref<125x80xi32, #tpu.memory_space<hbm>>
    tpu.enqueue_dma source(%dma_start3A_7 : memref<125x80xi32, #tpu.memory_space<hbm>>) target(%arg4 : memref<125x80xi32, #tpu.memory_space<vmem>>) target_semaphore(%arg8 : memref<!tpu.dma_semaphore, #tpu.memory_space<semaphore_mem>>)
    %broadcast_in_dim3A = arith.constant 0.000000e+00 : f32
    %broadcast_in_dim3A_8 = vector.broadcast %broadcast_in_dim3A : f32 to vector<16xf32>
    %broadcast_in_dim3A_9 = arith.constant 1.000000e+00 : f32
    %broadcast_in_dim3A_10 = vector.broadcast %broadcast_in_dim3A_9 : f32 to vector<16xf32>
    %scan3A = arith.constant 0 : i32
    %scan3A_11 = arith.constant 0 : i32
    %scan3A_12 = arith.constant 80 : i32
    %scan3A_13 = arith.addi %scan3A_11, %scan3A_12 : i32
    %scan3A_14 = arith.constant 1 : i32
    %scan3A_15 = scf.for %scan3A_46 = %scan3A_11 to %scan3A_13 step %scan3A_14 iter_args(%scan3A_47 = %scan3A) -> (i32)  : i32 {
      %swap3A = arith.index_cast %scan3A_46 : i32 to index
      %swap3A_48 = arith.constant 0 : index
      %swap3A_49 = tpu.vector_load %arg5[%swap3A, %swap3A_48] {strides = array<i32>} : memref<80x16xf32, #tpu.memory_space<vmem>>, vector<1x16xf32>,
      %swap3A_50 = vector.shape_cast %swap3A_49 : vector<1x16xf32> to vector<16xf32>
      %swap3A_51 = vector.shape_cast %broadcast_in_dim3A_10 : vector<16xf32> to vector<1x16xf32>
      tpu.vector_store %arg5[%swap3A, %swap3A_48], %swap3A_51 {strides = array<i32>} : memref<80x16xf32, #tpu.memory_space<vmem>>, vector<1x16xf32>,
      %scan3A_52 = arith.constant 0 : i32
      scf.yield %scan3A_52 : i32
    }
    %scan3A_16 = arith.constant 80 : i32
    %dma_wait3A = arith.constant 0 : i32
    %dma_wait3A_17 = arith.constant 0 : i32
    %dma_wait3A_18 = tpu.memref_slice %arg2[%add3A, %dma_wait3A, %dma_wait3A_17] : memref<32x125x80xi32, #tpu.memory_space<hbm>> -> memref<1x125x80xi32, #tpu.memory_space<hbm>>
    %dma_wait3A_19 = tpu.memref_squeeze %dma_wait3A_18 : memref<1x125x80xi32, #tpu.memory_space<hbm>> -> memref<125x80xi32, #tpu.memory_space<hbm>>
    %dma_wait3A_20 = arith.constant 0 : i32
    %dma_wait3A_21 = arith.constant 0 : i32
    %dma_wait3A_22 = tpu.memref_slice %arg2[%add3A, %dma_wait3A_20, %dma_wait3A_21] : memref<32x125x80xi32, #tpu.memory_space<hbm>> -> memref<1x125x80xi32, #tpu.memory_space<hbm>>
    %dma_wait3A_23 = tpu.memref_squeeze %dma_wait3A_22 : memref<1x125x80xi32, #tpu.memory_space<hbm>> -> memref<125x80xi32, #tpu.memory_space<hbm>>
    tpu.wait_dma2 semaphore(%arg8 : memref<!tpu.dma_semaphore, #tpu.memory_space<semaphore_mem>>) src(%dma_wait3A_23 : memref<125x80xi32, #tpu.memory_space<hbm>>) dst(%arg4 : memref<125x80xi32, #tpu.memory_space<vmem>>)
    %lt3A = arith.constant 10 : i32
    %lt3A_24 = arith.cmpi slt, %arg1, %lt3A : i32
    %convert_element_type3A = arith.extui %lt3A_24 : i1 to i32
    %cond3A = arith.constant 0 : i32
    %cond3A_25 = arith.cmpi ne, %convert_element_type3A, %cond3A : i32
    scf.if %cond3A_25 {
      %scan3A_46 = arith.constant 0 : i32
      %scan3A_47 = arith.constant 0 : i32
      %scan3A_48 = arith.constant 1000 : i32
      %scan3A_49 = arith.addi %scan3A_47, %scan3A_48 : i32
      %scan3A_50 = arith.constant 1 : i32
      %scan3A_51 = scf.for %scan3A_55 = %scan3A_47 to %scan3A_49 step %scan3A_50 iter_args(%scan3A_56 = %scan3A_46) -> (i32)  : i32 {
        %swap3A = arith.index_cast %scan3A_55 : i32 to index
        %swap3A_57 = arith.constant 0 : index
        %swap3A_58 = tpu.vector_load %arg6[%swap3A, %swap3A_57] {strides = array<i32>} : memref<1000x16xf32, #tpu.memory_space<vmem>>, vector<1x16xf32>,
        %swap3A_59 = vector.shape_cast %swap3A_58 : vector<1x16xf32> to vector<16xf32>
        %swap3A_60 = vector.shape_cast %broadcast_in_dim3A_8 : vector<16xf32> to vector<1x16xf32>
        tpu.vector_store %arg6[%swap3A, %swap3A_57], %swap3A_60 {strides = array<i32>} : memref<1000x16xf32, #tpu.memory_space<vmem>>, vector<1x16xf32>,
        %scan3A_61 = arith.constant 0 : i32
        scf.yield %scan3A_61 : i32
      }
      %scan3A_52 = arith.constant 1000 : i32
      %mul3A_53 = arith.constant 1000 : i32
      %mul3A_54 = arith.muli %arg1, %mul3A_53 : i32
      "tpu.region"() ({
        %run_scoped3A = tpu.sem_alloc : memref<!tpu.dma_semaphore, #tpu.memory_space<semaphore_mem>>
        %dma_start3A_55 = arith.constant 0 : i32
        %dma_start3A_56 = tpu.memref_slice %arg7[%mul3A_54, %dma_start3A_55] : memref<10000x16xf32, #tpu.memory_space<vmem_shared>> -> memref<1000x16xf32, #tpu.memory_space<vmem_shared>>
        %dma_start3A_57 = arith.constant 0 : i32
        %dma_start3A_58 = tpu.memref_slice %arg7[%mul3A_54, %dma_start3A_57] : memref<10000x16xf32, #tpu.memory_space<vmem_shared>> -> memref<1000x16xf32, #tpu.memory_space<vmem_shared>>
        tpu.enqueue_dma source(%arg6 : memref<1000x16xf32, #tpu.memory_space<vmem>>) target(%dma_start3A_58 : memref<1000x16xf32, #tpu.memory_space<vmem_shared>>) target_semaphore(%run_scoped3A : memref<!tpu.dma_semaphore, #tpu.memory_space<semaphore_mem>>)
        %dma_wait3A_59 = arith.constant 0 : i32
        %dma_wait3A_60 = tpu.memref_slice %arg7[%mul3A_54, %dma_wait3A_59] : memref<10000x16xf32, #tpu.memory_space<vmem_shared>> -> memref<1000x16xf32, #tpu.memory_space<vmem_shared>>
        %dma_wait3A_61 = arith.constant 0 : i32
        %dma_wait3A_62 = tpu.memref_slice %arg7[%mul3A_54, %dma_wait3A_61] : memref<10000x16xf32, #tpu.memory_space<vmem_shared>> -> memref<1000x16xf32, #tpu.memory_space<vmem_shared>>
        tpu.wait_dma2 semaphore(%run_scoped3A : memref<!tpu.dma_semaphore, #tpu.memory_space<semaphore_mem>>) src(%arg6 : memref<1000x16xf32, #tpu.memory_space<vmem>>) dst(%dma_wait3A_62 : memref<1000x16xf32, #tpu.memory_space<vmem_shared>>)
        tpu.yield
      }) : () -> ()
    } else {
    }
    %barrier3A = arith.constant 0 : index
    tpu.barrier barrier_id(%barrier3A)
    %scan3A_26 = arith.constant 0 : i32
    %scan3A_27 = arith.constant 0 : i32
    %scan3A_28 = arith.constant 125 : i32
    %scan3A_29 = arith.addi %scan3A_27, %scan3A_28 : i32
    %scan3A_30 = arith.constant 1 : i32
    %scan3A_31 = scf.for %scan3A_46 = %scan3A_27 to %scan3A_29 step %scan3A_30 iter_args(%scan3A_47 = %scan3A_26) -> (i32)  : i32 {
      %dma_start3A_48 = arith.constant 0 : i32
      %dma_start3A_49 = tpu.memref_slice %arg4[%scan3A_46, %dma_start3A_48] : memref<125x80xi32, #tpu.memory_space<vmem>> -> memref<1x80xi32, #tpu.memory_space<vmem>>
      %dma_start3A_50 = tpu.memref_squeeze %dma_start3A_49 : memref<1x80xi32, #tpu.memory_space<vmem>> -> memref<80xi32, #tpu.memory_space<vmem>>
      %dma_start3A_51 = arith.constant 0 : i32
      %dma_start3A_52 = arith.constant 0 : i32
      %dma_start3A_53 = tpu.memref_slice %arg7[%dma_start3A_51, %dma_start3A_52] : memref<10000x16xf32, #tpu.memory_space<vmem_shared>> -> memref<10000x16xf32, #tpu.memory_space<vmem_shared>>
      tpu.enqueue_indirect_dma source(%arg5 : memref<80x16xf32, #tpu.memory_space<vmem>>) target(%dma_start3A_53 : memref<10000x16xf32, #tpu.memory_space<vmem_shared>>) offsets(%dma_start3A_50 : memref<80xi32, #tpu.memory_space<vmem>>) semaphore(%arg8 : memref<!tpu.dma_semaphore, #tpu.memory_space<semaphore_mem>>) {add = true}
      %ge3A = arith.constant 7 : i32
      %ge3A_54 = arith.cmpi sge, %scan3A_46, %ge3A : i32
      %convert_element_type3A_55 = arith.extui %ge3A_54 : i1 to i32
      %cond3A_56 = arith.constant 0 : i32
      %cond3A_57 = arith.cmpi ne, %convert_element_type3A_55, %cond3A_56 : i32
      scf.if %cond3A_57 {
        %dma_wait3A_59 = arith.constant 0 : i32
        %dma_wait3A_60 = arith.constant 0 : i32
        %dma_wait3A_61 = arith.constant 0 : i32
        %dma_wait3A_62 = tpu.memref_slice %arg3[%dma_wait3A_59, %dma_wait3A_60, %dma_wait3A_61] : memref<2x10000x16xf32, #tpu.memory_space<hbm>> -> memref<1x80x16xf32, #tpu.memory_space<hbm>>
        %dma_wait3A_63 = tpu.memref_squeeze %dma_wait3A_62 : memref<1x80x16xf32, #tpu.memory_space<hbm>> -> memref<80x16xf32, #tpu.memory_space<hbm>>
        %dma_wait3A_64 = arith.constant 0 : i32
        %dma_wait3A_65 = arith.constant 0 : i32
        %dma_wait3A_66 = tpu.memref_slice %arg3[%dma_wait3A_59, %dma_wait3A_64, %dma_wait3A_65] : memref<2x10000x16xf32, #tpu.memory_space<hbm>> -> memref<1x80x16xf32, #tpu.memory_space<hbm>>
        %dma_wait3A_67 = tpu.memref_squeeze %dma_wait3A_66 : memref<1x80x16xf32, #tpu.memory_space<hbm>> -> memref<80x16xf32, #tpu.memory_space<hbm>>
        tpu.wait_dma2 semaphore(%arg8 : memref<!tpu.dma_semaphore, #tpu.memory_space<semaphore_mem>>) src(%dma_wait3A_67 : memref<80x16xf32, #tpu.memory_space<hbm>>) dst(%arg5 : memref<80x16xf32, #tpu.memory_space<vmem>>)
      } else {
      }
      %scan3A_58 = arith.constant 0 : i32
      scf.yield %scan3A_58 : i32
    }
    %scan3A_32 = arith.constant 125 : i32
    %scan3A_33 = arith.constant 0 : i32
    %scan3A_34 = arith.constant 0 : i32
    %scan3A_35 = arith.constant 7 : i32
    %scan3A_36 = arith.addi %scan3A_34, %scan3A_35 : i32
    %scan3A_37 = arith.constant 1 : i32
    %scan3A_38 = scf.for %scan3A_46 = %scan3A_34 to %scan3A_36 step %scan3A_37 iter_args(%scan3A_47 = %scan3A_33) -> (i32)  : i32 {
      %dma_wait3A_48 = arith.constant 0 : i32
      %dma_wait3A_49 = arith.constant 0 : i32
      %dma_wait3A_50 = arith.constant 0 : i32
      %dma_wait3A_51 = tpu.memref_slice %arg3[%dma_wait3A_48, %dma_wait3A_49, %dma_wait3A_50] : memref<2x10000x16xf32, #tpu.memory_space<hbm>> -> memref<1x80x16xf32, #tpu.memory_space<hbm>>
      %dma_wait3A_52 = tpu.memref_squeeze %dma_wait3A_51 : memref<1x80x16xf32, #tpu.memory_space<hbm>> -> memref<80x16xf32, #tpu.memory_space<hbm>>
      %dma_wait3A_53 = arith.constant 0 : i32
      %dma_wait3A_54 = arith.constant 0 : i32
      %dma_wait3A_55 = tpu.memref_slice %arg3[%dma_wait3A_48, %dma_wait3A_53, %dma_wait3A_54] : memref<2x10000x16xf32, #tpu.memory_space<hbm>> -> memref<1x80x16xf32, #tpu.memory_space<hbm>>
      %dma_wait3A_56 = tpu.memref_squeeze %dma_wait3A_55 : memref<1x80x16xf32, #tpu.memory_space<hbm>> -> memref<80x16xf32, #tpu.memory_space<hbm>>
      tpu.wait_dma2 semaphore(%arg8 : memref<!tpu.dma_semaphore, #tpu.memory_space<semaphore_mem>>) src(%dma_wait3A_56 : memref<80x16xf32, #tpu.memory_space<hbm>>) dst(%arg5 : memref<80x16xf32, #tpu.memory_space<vmem>>)
      %scan3A_57 = arith.constant 0 : i32
      scf.yield %scan3A_57 : i32
    }
    %scan3A_39 = arith.constant 7 : i32
    %barrier3A_40 = arith.constant 0 : index
    tpu.barrier barrier_id(%barrier3A_40)
    %lt3A_41 = arith.constant 10 : i32
    %lt3A_42 = arith.cmpi slt, %arg1, %lt3A_41 : i32
    %convert_element_type3A_43 = arith.extui %lt3A_42 : i1 to i32
    %cond3A_44 = arith.constant 0 : i32
    %cond3A_45 = arith.cmpi ne, %convert_element_type3A_43, %cond3A_44 : i32
    scf.if %cond3A_45 {
      %mul3A_46 = arith.constant 1000 : i32
      %mul3A_47 = arith.muli %arg1, %mul3A_46 : i32
      %mul3A_48 = arith.constant 1000 : i32
      %mul3A_49 = arith.muli %arg1, %mul3A_48 : i32
      "tpu.region"() ({
        %run_scoped3A = tpu.sem_alloc : memref<!tpu.dma_semaphore, #tpu.memory_space<semaphore_mem>>
        %dma_start3A_50 = arith.constant 0 : i32
        %dma_start3A_51 = tpu.memref_slice %arg3[%arg0, %mul3A_49, %dma_start3A_50] : memref<2x10000x16xf32, #tpu.memory_space<hbm>> -> memref<1x1000x16xf32, #tpu.memory_space<hbm>>
        %dma_start3A_52 = tpu.memref_squeeze %dma_start3A_51 : memref<1x1000x16xf32, #tpu.memory_space<hbm>> -> memref<1000x16xf32, #tpu.memory_space<hbm>>
        %dma_start3A_53 = arith.constant 0 : i32
        %dma_start3A_54 = tpu.memref_slice %arg7[%mul3A_47, %dma_start3A_53] : memref<10000x16xf32, #tpu.memory_space<vmem_shared>> -> memref<1000x16xf32, #tpu.memory_space<vmem_shared>>
        tpu.enqueue_dma source(%dma_start3A_54 : memref<1000x16xf32, #tpu.memory_space<vmem_shared>>) target(%dma_start3A_52 : memref<1000x16xf32, #tpu.memory_space<hbm>>) target_semaphore(%run_scoped3A : memref<!tpu.dma_semaphore, #tpu.memory_space<semaphore_mem>>)
        %dma_wait3A_55 = arith.constant 0 : i32
        %dma_wait3A_56 = tpu.memref_slice %arg3[%arg0, %mul3A_49, %dma_wait3A_55] : memref<2x10000x16xf32, #tpu.memory_space<hbm>> -> memref<1x1000x16xf32, #tpu.memory_space<hbm>>
        %dma_wait3A_57 = tpu.memref_squeeze %dma_wait3A_56 : memref<1x1000x16xf32, #tpu.memory_space<hbm>> -> memref<1000x16xf32, #tpu.memory_space<hbm>>
        %dma_wait3A_58 = arith.constant 0 : i32
        %dma_wait3A_59 = tpu.memref_slice %arg7[%mul3A_47, %dma_wait3A_58] : memref<10000x16xf32, #tpu.memory_space<vmem_shared>> -> memref<1000x16xf32, #tpu.memory_space<vmem_shared>>
        tpu.wait_dma2 semaphore(%run_scoped3A : memref<!tpu.dma_semaphore, #tpu.memory_space<semaphore_mem>>) src(%dma_wait3A_59 : memref<1000x16xf32, #tpu.memory_space<vmem_shared>>) dst(%dma_wait3A_57 : memref<1000x16xf32, #tpu.memory_space<hbm>>)
        tpu.yield
      }) : () -> ()
    } else {
    }
    return
  }
}

module attributes {stable_mosaic.version = 14 : i64} {
  func.func @_tc_mid_body(%arg0: i32, %arg1: memref<2x2000x128xf32, #tpu.memory_space<vmem>>, %arg2: memref<2000x128xf32, #tpu.memory_space<vmem>>, %arg3: memref<2000x1xf32, #tpu.memory_space<vmem>>, %arg4: memref<1x128xf32, #tpu.memory_space<vmem>>, %arg5: memref<128x128xf32, #tpu.memory_space<vmem>>, %arg6: memref<2000x128xf32, #tpu.memory_space<vmem>>) attributes {dimension_semantics = [#tpu.dimension_semantics<arbitrary>], iteration_bounds = array<i64: 5>, scalar_prefetch = 0 : i64, scratch_operands = 0 : i64, tpu.core_type = #tpu.core_type<tc>, window_params = [{transform_indices = @transform_0, window_bounds = array<i64: 2, 2000, 128>}, {transform_indices = @transform_1, window_bounds = array<i64: 2000, 128>}, {transform_indices = @transform_2, window_bounds = array<i64: 2000, 1>}, {pipeline_mode = #tpu.pipeline_mode<synchronous>, transform_indices = @transform_3, window_bounds = array<i64: 1, 128>}, {pipeline_mode = #tpu.pipeline_mode<synchronous>, transform_indices = @transform_4, window_bounds = array<i64: 128, 128>}, {transform_indices = @transform_5, window_bounds = array<i64: 2000, 128>}]} {
    %get3A = arith.constant 0 : index
    %get3A_0 = arith.constant 0 : index
    %get3A_1 = arith.constant 0 : index
    %get3A_2 = vector.load %arg1[%get3A, %get3A_0, %get3A_1] : memref<2x2000x128xf32, #tpu.memory_space<vmem>>, vector<1x2000x128xf32>
    %get3A_3 = vector.shape_cast %get3A_2 : vector<1x2000x128xf32> to vector<2000x128xf32>
    %get3A_4 = arith.constant 1 : index
    %get3A_5 = arith.constant 0 : index
    %get3A_6 = arith.constant 0 : index
    %get3A_7 = vector.load %arg1[%get3A_4, %get3A_5, %get3A_6] : memref<2x2000x128xf32, #tpu.memory_space<vmem>>, vector<1x2000x128xf32>
    %get3A_8 = vector.shape_cast %get3A_7 : vector<1x2000x128xf32> to vector<2000x128xf32>
    %add3A = arith.addf %get3A_3, %get3A_8 : vector<2000x128xf32>
    %get3A_9 = arith.constant 0 : index
    %get3A_10 = arith.constant 0 : index
    %get3A_11 = vector.load %arg2[%get3A_9, %get3A_10] : memref<2000x128xf32, #tpu.memory_space<vmem>>, vector<2000x128xf32>
    %sub3A = arith.subf %add3A, %get3A_11 : vector<2000x128xf32>
    %get3A_12 = arith.constant 0 : index
    %get3A_13 = arith.constant 0 : index
    %get3A_14 = vector.load %arg3[%get3A_12, %get3A_13] : memref<2000x1xf32, #tpu.memory_space<vmem>>, vector<2000x1xf32>
    %mul3A = vector.broadcast %get3A_14 : vector<2000x1xf32> to vector<2000x128xf32>
    %mul3A_15 = arith.mulf %sub3A, %mul3A : vector<2000x128xf32>
    %get3A_16 = arith.constant 0 : index
    %get3A_17 = arith.constant 0 : index
    %get3A_18 = vector.load %arg4[%get3A_16, %get3A_17] : memref<1x128xf32, #tpu.memory_space<vmem>>, vector<1x128xf32>
    %add3A_19 = vector.broadcast %get3A_18 : vector<1x128xf32> to vector<2000x128xf32>
    %add3A_20 = arith.addf %mul3A_15, %add3A_19 : vector<2000x128xf32>
    %max3A = arith.constant 0.000000e+00 : f32
    %max3A_21 = vector.broadcast %max3A : f32 to vector<2000x128xf32>
    %max3A_22 = arith.maximumf %add3A_20, %max3A_21 : vector<2000x128xf32>
    %get3A_23 = arith.constant 0 : index
    %get3A_24 = arith.constant 0 : index
    %get3A_25 = vector.load %arg5[%get3A_23, %get3A_24] : memref<128x128xf32, #tpu.memory_space<vmem>>, vector<128x128xf32>
    %dot_general3A = arith.constant dense<0.000000e+00> : vector<2000x128xf32>
    %dot_general3A_26 = tpu.matmul %max3A_22, %get3A_25, %dot_general3A {dimension_numbers = #tpu.dot_dimension_numbers<[1], [0], [0], [1], [0, 0, 1, 1], [], []>, transpose_lhs_hint = false} : vector<2000x128xf32>, vector<128x128xf32>, vector<2000x128xf32> -> vector<2000x128xf32>
    %get3A_27 = arith.constant 0 : index
    %get3A_28 = arith.constant 0 : index
    %get3A_29 = vector.load %arg3[%get3A_27, %get3A_28] : memref<2000x1xf32, #tpu.memory_space<vmem>>, vector<2000x1xf32>
    %mul3A_30 = vector.broadcast %get3A_29 : vector<2000x1xf32> to vector<2000x128xf32>
    %mul3A_31 = arith.mulf %dot_general3A_26, %mul3A_30 : vector<2000x128xf32>
    %swap3A = arith.constant 0 : index
    %swap3A_32 = arith.constant 0 : index
    %swap3A_33 = vector.load %arg6[%swap3A, %swap3A_32] : memref<2000x128xf32, #tpu.memory_space<vmem>>, vector<2000x128xf32>
    tpu.vector_store %arg6[%swap3A, %swap3A_32], %mul3A_31 {strides = array<i32>} : memref<2000x128xf32, #tpu.memory_space<vmem>>, vector<2000x128xf32>,
    return
  }
  func.func @transform_0(%arg0: i32) -> (i32, i32, i32) {
    %c0_i32 = arith.constant 0 : i32
    %c0_i32_0 = arith.constant 0 : i32
    %c0_i32_1 = arith.constant 0 : i32
    return %c0_i32, %arg0, %c0_i32_0 : i32, i32, i32
  }
  func.func @transform_1(%arg0: i32) -> (i32, i32) {
    %c0_i32 = arith.constant 0 : i32
    %c0_i32_0 = arith.constant 0 : i32
    return %arg0, %c0_i32 : i32, i32
  }
  func.func @transform_2(%arg0: i32) -> (i32, i32) {
    %c0_i32 = arith.constant 0 : i32
    %c0_i32_0 = arith.constant 0 : i32
    return %arg0, %c0_i32 : i32, i32
  }
  func.func @transform_3(%arg0: i32) -> (i32, i32) {
    %c0_i32 = arith.constant 0 : i32
    %c0_i32_0 = arith.constant 0 : i32
    %c0_i32_1 = arith.constant 0 : i32
    return %c0_i32, %c0_i32_0 : i32, i32
  }
  func.func @transform_4(%arg0: i32) -> (i32, i32) {
    %c0_i32 = arith.constant 0 : i32
    %c0_i32_0 = arith.constant 0 : i32
    %c0_i32_1 = arith.constant 0 : i32
    return %c0_i32, %c0_i32_0 : i32, i32
  }
  func.func @transform_5(%arg0: i32) -> (i32, i32) {
    %c0_i32 = arith.constant 0 : i32
    %c0_i32_0 = arith.constant 0 : i32
    return %arg0, %c0_i32 : i32, i32
  }
}

module attributes {stable_mosaic.version = 14 : i64} {
  func.func @_tc_prep_body(%arg0: i32, %arg1: memref<2x2000x16xf32, #tpu.memory_space<vmem>>, %arg2: memref<2000x128xf32, #tpu.memory_space<vmem>>, %arg3: memref<128x128xf32, #tpu.memory_space<vmem>>, %arg4: memref<2000x128xf32, #tpu.memory_space<vmem>>, %arg5: memref<2000x1xf32, #tpu.memory_space<vmem>>) attributes {dimension_semantics = [#tpu.dimension_semantics<arbitrary>], iteration_bounds = array<i64: 5>, scalar_prefetch = 0 : i64, scratch_operands = 0 : i64, tpu.core_type = #tpu.core_type<tc>, window_params = [{transform_indices = @transform_0, window_bounds = array<i64: 2, 2000, 16>}, {transform_indices = @transform_1, window_bounds = array<i64: 2000, 128>}, {pipeline_mode = #tpu.pipeline_mode<synchronous>, transform_indices = @transform_2, window_bounds = array<i64: 128, 128>}, {transform_indices = @transform_3, window_bounds = array<i64: 2000, 128>}, {transform_indices = @transform_4, window_bounds = array<i64: 2000, 1>}]} {
    %get3A = arith.constant 0 : index
    %get3A_0 = arith.constant 0 : index
    %get3A_1 = arith.constant 0 : index
    %get3A_2 = vector.load %arg1[%get3A, %get3A_0, %get3A_1] : memref<2x2000x16xf32, #tpu.memory_space<vmem>>, vector<1x2000x1xf32>
    %get3A_3 = vector.shape_cast %get3A_2 : vector<1x2000x1xf32> to vector<2000x1xf32>
    %get3A_4 = arith.constant 1 : index
    %get3A_5 = arith.constant 0 : index
    %get3A_6 = arith.constant 0 : index
    %get3A_7 = vector.load %arg1[%get3A_4, %get3A_5, %get3A_6] : memref<2x2000x16xf32, #tpu.memory_space<vmem>>, vector<1x2000x1xf32>
    %get3A_8 = vector.shape_cast %get3A_7 : vector<1x2000x1xf32> to vector<2000x1xf32>
    %add3A = arith.addf %get3A_3, %get3A_8 : vector<2000x1xf32>
    %add3A_9 = arith.constant 1.000000e+00 : f32
    %add3A_10 = vector.broadcast %add3A_9 : f32 to vector<2000x1xf32>
    %add3A_11 = arith.addf %add3A, %add3A_10 : vector<2000x1xf32>
    %rsqrt3A = math.rsqrt %add3A_11 : vector<2000x1xf32>
    %get3A_12 = arith.constant 0 : index
    %get3A_13 = arith.constant 0 : index
    %get3A_14 = vector.load %arg2[%get3A_12, %get3A_13] : memref<2000x128xf32, #tpu.memory_space<vmem>>, vector<2000x128xf32>
    %get3A_15 = arith.constant 0 : index
    %get3A_16 = arith.constant 0 : index
    %get3A_17 = vector.load %arg3[%get3A_15, %get3A_16] : memref<128x128xf32, #tpu.memory_space<vmem>>, vector<128x128xf32>
    %dot_general3A = arith.constant dense<0.000000e+00> : vector<2000x128xf32>
    %dot_general3A_18 = tpu.matmul %get3A_14, %get3A_17, %dot_general3A {dimension_numbers = #tpu.dot_dimension_numbers<[1], [0], [0], [1], [0, 0, 1, 1], [], []>, transpose_lhs_hint = false} : vector<2000x128xf32>, vector<128x128xf32>, vector<2000x128xf32> -> vector<2000x128xf32>
    %mul3A = vector.broadcast %rsqrt3A : vector<2000x1xf32> to vector<2000x128xf32>
    %mul3A_19 = arith.mulf %dot_general3A_18, %mul3A : vector<2000x128xf32>
    %swap3A = arith.constant 0 : index
    %swap3A_20 = arith.constant 0 : index
    %swap3A_21 = vector.load %arg4[%swap3A, %swap3A_20] : memref<2000x128xf32, #tpu.memory_space<vmem>>, vector<2000x128xf32>
    tpu.vector_store %arg4[%swap3A, %swap3A_20], %mul3A_19 {strides = array<i32>} : memref<2000x128xf32, #tpu.memory_space<vmem>>, vector<2000x128xf32>,
    %swap3A_22 = arith.constant 0 : index
    %swap3A_23 = arith.constant 0 : index
    %swap3A_24 = vector.load %arg5[%swap3A_22, %swap3A_23] : memref<2000x1xf32, #tpu.memory_space<vmem>>, vector<2000x1xf32>
    tpu.vector_store %arg5[%swap3A_22, %swap3A_23], %rsqrt3A {strides = array<i32>} : memref<2000x1xf32, #tpu.memory_space<vmem>>, vector<2000x1xf32>,
    return
  }
  func.func @transform_0(%arg0: i32) -> (i32, i32, i32) {
    %c0_i32 = arith.constant 0 : i32
    %c0_i32_0 = arith.constant 0 : i32
    %c0_i32_1 = arith.constant 0 : i32
    return %c0_i32, %arg0, %c0_i32_0 : i32, i32, i32
  }
  func.func @transform_1(%arg0: i32) -> (i32, i32) {
    %c0_i32 = arith.constant 0 : i32
    %c0_i32_0 = arith.constant 0 : i32
    return %arg0, %c0_i32 : i32, i32
  }
  func.func @transform_2(%arg0: i32) -> (i32, i32) {
    %c0_i32 = arith.constant 0 : i32
    %c0_i32_0 = arith.constant 0 : i32
    %c0_i32_1 = arith.constant 0 : i32
    return %c0_i32, %c0_i32_0 : i32, i32
  }
  func.func @transform_3(%arg0: i32) -> (i32, i32) {
    %c0_i32 = arith.constant 0 : i32
    %c0_i32_0 = arith.constant 0 : i32
    return %arg0, %c0_i32 : i32, i32
  }
  func.func @transform_4(%arg0: i32) -> (i32, i32) {
    %c0_i32 = arith.constant 0 : i32
    %c0_i32_0 = arith.constant 0 : i32
    return %arg0, %c0_i32 : i32, i32
  }
}

module attributes {stable_mosaic.version = 14 : i64} {
  func.func @_tc_final_body(%arg0: i32, %arg1: memref<2x2000x128xf32, #tpu.memory_space<vmem>>, %arg2: memref<2000x128xf32, #tpu.memory_space<vmem>>, %arg3: memref<2000x1xf32, #tpu.memory_space<vmem>>, %arg4: memref<1x128xf32, #tpu.memory_space<vmem>>, %arg5: memref<1x128xf32, #tpu.memory_space<vmem>>) attributes {dimension_semantics = [#tpu.dimension_semantics<arbitrary>], iteration_bounds = array<i64: 5>, scalar_prefetch = 0 : i64, scratch_operands = 0 : i64, tpu.core_type = #tpu.core_type<tc>, window_params = [{transform_indices = @transform_0, window_bounds = array<i64: 2, 2000, 128>}, {transform_indices = @transform_1, window_bounds = array<i64: 2000, 128>}, {transform_indices = @transform_2, window_bounds = array<i64: 2000, 1>}, {pipeline_mode = #tpu.pipeline_mode<synchronous>, transform_indices = @transform_3, window_bounds = array<i64: 1, 128>}, {pipeline_mode = #tpu.pipeline_mode<synchronous>, transform_indices = @transform_4, window_bounds = array<i64: 1, 128>}]} {
    %get3A = arith.constant 0 : index
    %get3A_0 = arith.constant 0 : index
    %get3A_1 = arith.constant 0 : index
    %get3A_2 = vector.load %arg1[%get3A, %get3A_0, %get3A_1] : memref<2x2000x128xf32, #tpu.memory_space<vmem>>, vector<1x2000x128xf32>
    %get3A_3 = vector.shape_cast %get3A_2 : vector<1x2000x128xf32> to vector<2000x128xf32>
    %get3A_4 = arith.constant 1 : index
    %get3A_5 = arith.constant 0 : index
    %get3A_6 = arith.constant 0 : index
    %get3A_7 = vector.load %arg1[%get3A_4, %get3A_5, %get3A_6] : memref<2x2000x128xf32, #tpu.memory_space<vmem>>, vector<1x2000x128xf32>
    %get3A_8 = vector.shape_cast %get3A_7 : vector<1x2000x128xf32> to vector<2000x128xf32>
    %add3A = arith.addf %get3A_3, %get3A_8 : vector<2000x128xf32>
    %get3A_9 = arith.constant 0 : index
    %get3A_10 = arith.constant 0 : index
    %get3A_11 = vector.load %arg2[%get3A_9, %get3A_10] : memref<2000x128xf32, #tpu.memory_space<vmem>>, vector<2000x128xf32>
    %sub3A = arith.subf %add3A, %get3A_11 : vector<2000x128xf32>
    %get3A_12 = arith.constant 0 : index
    %get3A_13 = arith.constant 0 : index
    %get3A_14 = vector.load %arg3[%get3A_12, %get3A_13] : memref<2000x1xf32, #tpu.memory_space<vmem>>, vector<2000x1xf32>
    %mul3A = vector.broadcast %get3A_14 : vector<2000x1xf32> to vector<2000x128xf32>
    %mul3A_15 = arith.mulf %sub3A, %mul3A : vector<2000x128xf32>
    %reduce_sum3A = arith.constant dense<0.000000e+00> : vector<128xf32>
    %reduce_sum3A_16 = vector.multi_reduction <add>, %mul3A_15, %reduce_sum3A [0] : vector<2000x128xf32> to vector<128xf32>
    %broadcast_in_dim3A = vector.shape_cast %reduce_sum3A_16 : vector<128xf32> to vector<1x128xf32>
    %mul3A_17 = arith.constant 9.99999974E-5 : f32
    %mul3A_18 = vector.broadcast %mul3A_17 : f32 to vector<1x128xf32>
    %mul3A_19 = arith.mulf %broadcast_in_dim3A, %mul3A_18 : vector<1x128xf32>
    %eq3A = arith.constant 0 : i32
    %eq3A_20 = arith.cmpi eq, %arg0, %eq3A : i32
    %convert_element_type3A = arith.extui %eq3A_20 : i1 to i32
    %cond3A = arith.constant 0 : i32
    %cond3A_21 = arith.cmpi ne, %convert_element_type3A, %cond3A : i32
    scf.if %cond3A_21 {
      %get3A_28 = arith.constant 0 : index
      %get3A_29 = arith.constant 0 : index
      %get3A_30 = vector.load %arg4[%get3A_28, %get3A_29] : memref<1x128xf32, #tpu.memory_space<vmem>>, vector<1x128xf32>
      %swap3A_31 = arith.constant 0 : index
      %swap3A_32 = arith.constant 0 : index
      %swap3A_33 = vector.load %arg5[%swap3A_31, %swap3A_32] : memref<1x128xf32, #tpu.memory_space<vmem>>, vector<1x128xf32>
      tpu.vector_store %arg5[%swap3A_31, %swap3A_32], %get3A_30 {strides = array<i32>} : memref<1x128xf32, #tpu.memory_space<vmem>>, vector<1x128xf32>,
    } else {
    }
    %get3A_22 = arith.constant 0 : index
    %get3A_23 = arith.constant 0 : index
    %get3A_24 = vector.load %arg5[%get3A_22, %get3A_23] : memref<1x128xf32, #tpu.memory_space<vmem>>, vector<1x128xf32>
    %add3A_25 = arith.addf %get3A_24, %mul3A_19 : vector<1x128xf32>
    %swap3A = arith.constant 0 : index
    %swap3A_26 = arith.constant 0 : index
    %swap3A_27 = vector.load %arg5[%swap3A, %swap3A_26] : memref<1x128xf32, #tpu.memory_space<vmem>>, vector<1x128xf32>
    tpu.vector_store %arg5[%swap3A, %swap3A_26], %add3A_25 {strides = array<i32>} : memref<1x128xf32, #tpu.memory_space<vmem>>, vector<1x128xf32>,
    return
  }
  func.func @transform_0(%arg0: i32) -> (i32, i32, i32) {
    %c0_i32 = arith.constant 0 : i32
    %c0_i32_0 = arith.constant 0 : i32
    %c0_i32_1 = arith.constant 0 : i32
    return %c0_i32, %arg0, %c0_i32_0 : i32, i32, i32
  }
  func.func @transform_1(%arg0: i32) -> (i32, i32) {
    %c0_i32 = arith.constant 0 : i32
    %c0_i32_0 = arith.constant 0 : i32
    return %arg0, %c0_i32 : i32, i32
  }
  func.func @transform_2(%arg0: i32) -> (i32, i32) {
    %c0_i32 = arith.constant 0 : i32
    %c0_i32_0 = arith.constant 0 : i32
    return %arg0, %c0_i32 : i32, i32
  }
  func.func @transform_3(%arg0: i32) -> (i32, i32) {
    %c0_i32 = arith.constant 0 : i32
    %c0_i32_0 = arith.constant 0 : i32
    %c0_i32_1 = arith.constant 0 : i32
    return %c0_i32, %c0_i32_0 : i32, i32
  }
  func.func @transform_4(%arg0: i32) -> (i32, i32) {
    %c0_i32 = arith.constant 0 : i32
    %c0_i32_0 = arith.constant 0 : i32
    %c0_i32_1 = arith.constant 0 : i32
    return %c0_i32, %c0_i32_0 : i32, i32
  }
}

</mosaic_0001>

<sc_bundles>
// kernel: kernel.11.cloned.1.call-start
scs
__scs_entry_jumppad:
0x0: {  	(pc) =	sbr.rel $0x88, $3  }
0x1: {  	(tag) =	ssettag $0x0;
	lr =	simm.s32 $0x1  }
0x2: {  	[smem:$0x3F9B] =	sst lr;
	_ =	strace $0xD0000000  }
0x3: {  	_ = 	snop  }
0x4: {  	_ = 	snop  }
0x5: {  	_ = 	snop  }
0x6: {  	_ = 	snop  }
0x7: {  	_ = 	snop  }
__scs_overlays_trampoline_lowered:
0x8: {  	[smem:$0x3FAA] =	sst s0  }
0x9: {  	[smem:$0x3FAB] =	sst s1  }
0xa: {  	[smem:$0x3FAC] =	sst s2  }
0xb: {  	[smem:$0x3FAD] =	sst s3  }
0xc: {  	[smem:$0x3FAE] =	sst s4  }
0xd: {  	[smem:$0x3FAF] =	sst s5  }
0xe: {  	[smem:$0x3FB0] =	sst s6  }
0xf: {  	[smem:$0x3FB1] =	sst s7  }
0x10: {  	[smem:$0x3FB2] =	sst s8  }
0x11: {  	[smem:$0x3FB3] =	sst s9;
	s0 =	simm.s32 @!p0 $0x0  }
0x12: {  	s1 =	sld [smem:$0x3F99];
	s0 =	simm.s32 @p0 $0x1  }
0x13: {  	[smem:$0x3FB4] =	sst s0;
	s0 =	simm.s32 @!p1 $0x0  }
0x14: {  	s2 =	sld [smem:$0x3F98];
	s0 =	simm.s32 @p1 $0x1  }
0x15: {  	[smem:$0x3FB5] =	sst s0;
	s0 =	simm.s32 @!p2 $0x0  }
0x16: {  	s3 =	sld [smem:$0x3FDB];
	s0 =	simm.s32 @p2 $0x1  }
0x17: {  	s4 =	simm.s32 $0x1BF5;
	[smem:$0x3FB7] =	sst s0  }
0x18: {  	s0 =	sld [smem:$0x3F9A];
	_ =	swait.ge [sflag:s4], $0x0  }
0x19: {  	s7 =	sld [smem:$0x3F9B]  }
0x1a: {  	s8 =	sadd.s32 $0xFFFFE003, lr  }
0x1b: {  	s9 =	sadd.s32 $0xFFFFFEF7, lr;
	s5 =	simm.s32 $0xFFFFFFFF;
	p2 =	slt.u32 s8, $0xFFFFF086  }
0x1c: {  	p1 =	slt.u32 s9, $0xF7A;
	s5 =	simm.s32 @!p2 $0x0  }
0x1d: {  	s5 =	simm.s32 @p1 $0x1;
	p0 =	seq.s32 s7, s2  }
0x1e: {  	s7 =	smul.u32 @!p0 $0xF7A, s2;
	p2 =	seq.s32 @!p0 s5, $0x0  }
0x1f: {  	s9 =	smul.u32 $0xF7A, s1;
	s8 =	simm.s32 @!p0 $0x1BF5;
	p2 =	por !p2, p0  }
0x20: {  	[sflag:s8] =	ssyncset.s32 @!p0 $0xFFFFF086;
	s6 =	sadd.s32 @!p0 s3, s7;
	s7 =	simm.s32 @!p0 $0x108  }
0x21: {  	s3 =	sadd.s32 s3, s9;
	s6 =	sadd.s32 @!p0 $0x88, s6;
	s7 =	simm.s32 @p2 $0x1082  }
0x22: {  	[simem:s7], [sflag:s8] =	dma.local @!p0 [hbm:s6], $0xF7A  }
0x23: {  	s9 =	sor.u32 $0xD0000000, s2;
	s6 =	simm.s32 $0x108;
	_ =	swait.ge @!p0 [sflag:s8], $0x0  }
0x24: {  	s3 =	sadd.s32 $0x88, s3;
	s6 =	simm.s32 @!p1 $0x1082;
	[sflag:s4] =	ssyncset.s32 $0xFFFFF086  }
0x25: {  	[simem:s6], [sflag:s4] =	dma.local [hbm:s3], $0xF7A  }
0x26: {  	[smem:$0x3F9B] =	sst s1;
	(tag) =	ssettag s2;
	_ =	strace s9  }
0x27: {  	s1 =	sld [smem:$0x3FAB]  }
0x28: {  	s2 =	sld [smem:$0x3FAC]  }
0x29: {  	s4 =	sld [smem:$0x3FAE]  }
0x2a: {  	p0 =	seq.s32 s5, $0x0;
	s5 =	sld [smem:$0x3FAF]  }
0x2b: {  	s6 =	sld [smem:$0x3FB0]  }
0x2c: {  	s7 =	sld [smem:$0x3FB1]  }
0x2d: {  	s3 =	simm.s32 $0x108;
	s8 =	sld [smem:$0x3FB2]  }
0x2e: {  	s3 =	simm.s32 @!p0 $0x1082;
	s9 =	sld [smem:$0x3FB3]  }
0x2f: {  	lr =	sadd.s32 s0, s3;
	s0 =	sld [smem:$0x3FAA]  }
0x30: {  	s3 =	sld [smem:$0x3FAD]  }
0x31: {  	[smem:$0x3FB6] =	sst s10  }
0x32: {  	s10 =	sld [smem:$0x3FB4];
	_ =	sdelay $0x3  }
0x33: {  	p0 =	seq.s32 s10, $0x1;
	s10 =	sld [smem:$0x3FB6];
	_ =	sdelay $0x3  }
0x34: {  	[smem:$0x3FB6] =	sst s10  }
0x35: {  	s10 =	sld [smem:$0x3FB5];
	_ =	sdelay $0x3  }
0x36: {  	p1 =	seq.s32 s10, $0x1;
	s10 =	sld [smem:$0x3FB6];
	_ =	sdelay $0x3  }
0x37: {  	[smem:$0x3FB6] =	sst s10  }
0x38: {  	s10 =	sld [smem:$0x3FB7]  }
0x39: {  	_ = 	snop;
	(pc) =	sbr.ind lr, $3  }
0x3a: {  	_ = 	snop  }
0x3b: {  	_ = 	snop  }
0x3c: {  	p2 =	seq.s32 s10, $0x1;
	s10 =	sld [smem:$0x3FB6]  }
0x3d: {  	_ =	shalt  }
0x3e: {  	_ =	shalt  }
0x3f: {  	_ =	shalt  }
0x40: {  	_ =	shalt  }
0x41: {  	_ =	shalt  }
0x42: {  	_ =	shalt  }
0x43: {  	_ =	shalt  }
0x44: {  	_ =	shalt  }
0x45: {  	_ =	shalt  }
0x46: {  	_ =	shalt  }
0x47: {  	_ =	shalt  }
0x48: {  	_ =	shalt  }
0x49: {  	_ =	shalt  }
0x4a: {  	_ =	shalt  }
0x4b: {  	_ =	shalt  }
0x4c: {  	_ =	shalt  }
0x4d: {  	_ =	shalt  }
0x4e: {  	_ =	shalt  }
0x4f: {  	_ =	shalt  }
0x50: {  	_ =	shalt  }
0x51: {  	_ =	shalt  }
0x52: {  	_ =	shalt  }
0x53: {  	_ =	shalt  }
0x54: {  	_ =	shalt  }
0x55: {  	_ =	shalt  }
0x56: {  	_ =	shalt  }
0x57: {  	_ =	shalt  }
0x58: {  	_ =	shalt  }
0x59: {  	_ =	shalt  }
0x5a: {  	_ =	shalt  }
0x5b: {  	_ =	shalt  }
0x5c: {  	_ =	shalt  }
0x5d: {  	_ =	shalt  }
0x5e: {  	_ =	shalt  }
0x5f: {  	_ =	shalt  }
0x60: {  	_ =	shalt  }
0x61: {  	_ =	shalt  }
0x62: {  	_ =	shalt  }
0x63: {  	_ =	shalt  }
0x64: {  	_ =	shalt  }
0x65: {  	_ =	shalt  }
0x66: {  	_ =	shalt  }
0x67: {  	_ =	shalt  }
0x68: {  	_ =	shalt  }
0x69: {  	_ =	shalt  }
0x6a: {  	_ =	shalt  }
0x6b: {  	_ =	shalt  }
0x6c: {  	_ =	shalt  }
0x6d: {  	_ =	shalt  }
0x6e: {  	_ =	shalt  }
0x6f: {  	_ =	shalt  }
0x70: {  	_ =	shalt  }
0x71: {  	_ =	shalt  }
0x72: {  	_ =	shalt  }
0x73: {  	_ =	shalt  }
0x74: {  	_ =	shalt  }
0x75: {  	_ =	shalt  }
0x76: {  	_ =	shalt  }
0x77: {  	_ =	shalt  }
0x78: {  	_ =	shalt  }
0x79: {  	_ =	shalt  }
0x7a: {  	_ =	shalt  }
0x7b: {  	_ =	shalt  }
0x7c: {  	_ =	shalt  }
0x7d: {  	_ =	shalt  }
0x7e: {  	_ =	shalt  }
0x7f: {  	_ =	shalt  }
0x80: {  	_ =	shalt  }
0x81: {  	_ =	shalt  }
0x82: {  	_ =	shalt  }
0x83: {  	_ =	shalt  }
0x84: {  	_ =	shalt  }
0x85: {  	_ =	shalt  }
0x86: {  	_ =	shalt  }
0x87: {  	_ =	shalt  }
.Lfunc_end0:
.L_simem_size_0:
called_computation.1_lowered:
.L_overlay_start_0:
0x88: {  	s2 =	sld [smem:$0x3FD9]  }
0x89: {  	s3 =	sld [smem:$0x3FFE];
	_ =	sdelay $0x1  }
0x8a: {  	s1 =	srdreg.scid  }
0x8b: {  	s0 =	sand.u32 $0x1, s1  }
0x8c: {  	s16 =	sshll.u32 s0, $0xA;
	s2 =	sadd.s32 s3, s2  }
0x8d: {  	s2 =	sadd.s32 s2, s16  }
0x8e: {  	[smem:$0x3FC2] =	sst s2  }
0x8f: {  	_ = 	snop  }
0x90: {  	(tm) =	ssettm $0x1  }
0x91: {  	s17 =	sld [smem:$0x3FFB];
	_ =	sdelay $0x3  }
0x92: {  	_ =	strace s17  }
0x93: {  	s2 =	sld [smem:$0x3FFC];
	_ =	sdelay $0x3  }
0x94: {  	_ =	strace s2  }
0x95: {  	s2 =	sld [smem:$0x3FFD];
	_ =	sdelay $0x3  }
0x96: {  	_ =	strace s2  }
0x97: {  	_ =	strace $0x8FFFFFFF  }
0x98: {  	s18 =	sld [smem:$0x3FDB];
	_ =	sdelay $0x1  }
0x99: {  	s19 =	simm.s32 $_scs_section_size  }
0x9a: {  	s4 =	simm.s32 $_size__tile_overlayer_lowered;
	s5 =	simm.s32 $_tile_overlayer_lowered  }
0x9b: {  	s22 =	simm.s32 $0x1BFF;
	s21 =	sshll.u32 s5, $0x1;
	s2 =	sadd.s32 s19, s18  }
0x9c: {  	s6 =	simm.s32 $0x0;
	s20 =	sshll.u32 s4, $0x1;
	s4 =	sadd.s32 s21, s2  }
0x9d: {  	[timem:s6], [sflag:s22] =	dma.local [hbm:s4], s20  }
0x9e: {  	_ =	swait.ge [sflag:s22], s20  }
0x9f: {  	s3 =	ssub.s32 $0x0, s20;
	[sflag:s22] =	ssyncset.done $0x0  }
0xa0: {  	[sflag:s22] =	ssyncadd.s32 s3;
	_ =	sdelay $0x1  }
0xa1: {  	s23 =	simm.s32 $0x1B8B  }
0xa2: {  	_ =	swait.ge [sflag:s23], $0x1  }
0xa3: {  	[sflag:s23] =	ssyncset.done $0x0  }
0xa4: {  	s25 =	simm.s32 $0x1B8E;
	s24 =	sld [smem:$0x3FFE];
	[sflag:s23] =	ssyncadd.s32 $0xFFFFFFFF  }
0xa5: {  	s26 =	simm.s32 $execute0_lowered;
	[smem:$0x3FD2] =	sst s25  }
0xa6: {  	s4 =	sshll.u32 s26, $0x1;
	_ =	strace $0x80000049;
	[dreg:$0x1] =	wrdreg $0xFFFFFFFF  }
0xa7: {  	s28 =	simm.s32 $_size_execute0_lowered;
	s2 =	sadd.s32 s2, s4;
	[dreg:$0x0] =	wrdreg $0x0  }
0xa8: {  	s4 =	sshll.u32 s28, $0x1;
	[dreg:$0x2] =	wrdreg s2  }
0xa9: {  	[dreg:$0x3] =	wrdreg s4  }
0xaa: {  	[dreg:$0x4] =	wrdreg $0xC0  }
0xab: {  	_ =	task [dreg:s6], $0x5FFFF  }
0xac: {  	[dreg:$0x1] =	wrdreg $0xFFFFFFFF  }
0xad: {  	[dreg:$0x0] =	wrdreg $0x60  }
0xae: {  	[dreg:$0x2] =	wrdreg s24  }
0xaf: {  	[dreg:$0x3] =	wrdreg $0xC6200  }
0xb0: {  	[dreg:$0x4] =	wrdreg $0x9  }
0xb1: {  	_ =	task.clear_ibuf [dreg:s6], $0x5FFFF;
	_ =	strace $0x90000049  }
0xb2: {  	s29 =	simm.s32 $0x9;
	_ =	strace $0x8000004B  }
0xb3: {  	_ =	swait.ge [sflag:s29], $0x1  }
0xb4: {  	[sflag:s29] =	ssyncadd.s32 $0xFFFFFFFF  }
0xb5: {  	_ =	strace $0x9000004B  }
0xb6: {  	_ =	sfence  }
0xb7: {  	s30 =	sld [smem:$0x0];
	_ =	sdelay $0x2  }
0xb8: {  	s31 =	sshll.u32 s1, $0xD;
	s1 =	sshrl.u32 s1, $0x2  }
0xb9: {  	s3 =	sand.u32 $0x4000, s31;
	s1 =	sadd.s32 s1, s30  }
0xba: {  	s0 =	sor.u32 s3, s0;
	s1 =	sshll.u32 s1, $0x11  }
0xbb: {  	s0 =	sor.u32 s1, s0  }
0xbc: {  	s0 =	sadd.s32 $0x8F2B, s0  }
0xbd: {  	[sflag:s0] =	ssyncadd.remote.s32 $0x1  }
0xbe: {  	_ =	sfence.sel $0xFFFF  }
0xbf: {  	[dreg:$0x0] =	wrdreg $0xFFFFFFFF;
	(pc) =	sbr.abs _section_cstart, $3  }
0xc0: {  	[dreg:$0x1] =	wrdreg $0xFFFFFFFF  }
0xc1: {  	_ =	task.clear_ibuf [dreg:s6], $0x2FFFF;
	_ =	strace $0x9FFFFFFF  }
0xc2: {  	(tm) =	ssettm $0x7FFFFFFF  }
0xc3: {  	_ =	shalt  }
tec
execute0_lowered:
.L_overlay_start_1:
0x0: {  	(tag) =	ssettag $0x1  }
0x1: {  	s0 =	rddreg [dreg:$0x0]  }
0x2: {  	s2 =	rddreg [dreg:$0x1]  }
0x3: {  	s1 =	srdreg.scid;
	s10 =	stileid.u32;
	s3 =	simm.s32 $0x0  }
0x4: {  	s13 =	simm.s32 $0x1;
	s14 =	simm.s32 $0x2;
	s15 =	simm.s32 $0x50  }
0x5: {  	s16 =	simm.s32 $0x4E20;
	s17 =	simm.s32 $0x7620;
	s19 =	simm.s32 $0x9E20  }
0x6: {  	s20 =	simm.s32 $0x2760;
	s21 =	simm.s32 $0x4;
	s22 =	simm.s32 $0xF0  }
0x7: {  	s23 =	simm.s32 $0x3;
	s24 =	simm.s32 $0x27B0;
	s25 =	simm.s32 $0x5  }
0x8: {  	s28 =	simm.s32 $0x6;
	s29 =	simm.s32 $0x4D80;
	s30 =	simm.s32 $0x4DD0  }
0x9: {  	s31 =	simm.s32 $0x0;
	s1 =	sand.u32 $0x1, s1;
	s7 =	smul.u32 $0x1F400, s10  }
0xa: {  	[smem:$0x7FF] =	sst s3;
	p0 =	sgt.u32 s10, $0x9;
	s4 =	sshll.u32 s1, $0x4  }
0xb: {  	s5 =	smul.u32 $0x138800, s1;
	_ =	strace $0x8000004A;
	s1 =	ssub.s32 $0x2, s1  }
0xc: {  	s4 =	sor.u32 s10, s4;
	s8 =	sshrl.u32 s1, $0x1;
	s26 =	sshrl.u32 s7, $0x3  }
0xd: {  	s12 =	sadd.s32 s7, s2;
	s6 =	smul.u32 $0x4E2, s4;
	s5 =	sadd.s32 s7, s5  }
0xe: {  	s4 =	sadd.s32 $0x16800, s0;
	s1 =	ssub.s32 s1, s8;
	s12 =	sshrl.u32 @!p0 s12, $0x3  }
0xf: {  	s5 =	sshrl.u32 s5, $0x3;
	s7 =	sadd.s32 s4, s26;
	s9 =	smax.u32 s1, $0x1  }
0x10: {  	s26 =	simm.s32 $0x140;
	s6 =	sadd.s32 s6, s0;
	s0 =	sadd.s32 s5, s0  }
0x11: {  	s5 =	sadd.s32 $0x2C00, s6;
	s8 =	sadd.s32 $0x3DA00, s0;
	s0 =	sshll.u32 @!p0 s10, $0x6  }
0x12: {  	s6 =	sadd.s32 $0xCA00, s6;
	s10 =	simm.s32 $0x2710;
	s11 =	sor.u32 @!p0 $0x1C07, s0  }
.LBB2_1:
0x13: {  	[tilespmem:s3], [sflag:$0x1] =	stream.linear.gather [hbm4b:s5+s3], $0x2710, $0x38;
	[tilespmem:$0x1FEA0] =	vst v63  }
0x14: {  	s0 =	simm.s32 @!p0 $0x7  }
0x15: {  	[tilespmem:s10], [sflag:$0x2] =	stream.linear.gather [hbm4b:s6+s3], $0x2710, $0x38;
	[tilespmem:$0x1FEA0] =	vst v63  }
0x16: {  	[spmem:s12], [sflag:s11] =	dma.local @!p0 [hbm:s7], $0x3E80  }
0x17: {  	_ =	swait.ge @!p0 [sflag:s0], $0x3E80  }
0x18: {  	[sflag:s0] =	ssyncset.done @!p0 $0x0  }
0x19: {  	[sflag:s0] =	ssyncadd.s32 @!p0 $0xFFFFC180  }
0x1a: {  	_ =	swait.ge [sflag:s13], $0x2710  }
0x1b: {  	[sflag:s13] =	ssyncset.done $0x0  }
0x1c: {  	[sflag:s13] =	ssyncadd.s32 $0xFFFFD8F0  }
0x1d: {  	_ =	swait.ge [sflag:s14], $0x2710  }
0x1e: {  	[sflag:s14] =	ssyncset.done $0x0  }
0x1f: {  	[sflag:s14] =	ssyncadd.s32 $0xFFFFD8F0  }
0x20: {  	[bflag:$0x0] =	sbarrier.arrive $0xFFFF  }
0x21: {  	[tilespmem:s16], [sflag:$0x1] =	stream.indirect.gather [hbm4b:s4+s15], $0x80, s3, s15, $0xb8;
	[tilespmem:$0x1FEA0] =	vst v63  }
0x22: {  	_ = 	snop  }
0x23: {  	[tilespmem:s17], [sflag:$0x2] =	stream.indirect.gather [hbm4b:s4+s15], $0x80, s15, s15, $0xb8;
	[tilespmem:$0x1FEA0] =	vst v63  }
0x24: {  	_ =	swait.ge [sflag:s13], $0x2800  }
0x25: {  	[sflag:s13] =	ssyncset.done $0x0  }
0x26: {  	[sflag:s13] =	ssyncadd.s32 $0xFFFFD800  }
0x27: {  	[spmem:s2] =	stream.indirect.scatter.add.f32 [tilespmem:s16], [sflag:$0x4], $0x80, s10, s15, $0xb8;
	[tilespmem:$0x1FEA0] =	vst v63  }
0x28: {  	s1 =	simm.s32 $0xA0  }
0x29: {  	[tilespmem:s19], [sflag:$0x3] =	stream.indirect.gather [hbm4b:s4+s15], $0x80, s1, s15, $0xb8;
	[tilespmem:$0x1FEA0] =	vst v63  }
0x2a: {  	_ =	swait.ge [sflag:s14], $0x2800  }
0x2b: {  	[sflag:s14] =	ssyncset.done $0x0  }
0x2c: {  	[sflag:s14] =	ssyncadd.s32 $0xFFFFD800  }
0x2d: {  	[spmem:s2] =	stream.indirect.scatter.add.f32 [tilespmem:s17], [sflag:$0x5], $0x80, s20, s15, $0xb8;
	[tilespmem:$0x1FEA0] =	vst v63  }
0x2e: {  	_ =	swait.ge [sflag:s21], $0x2800  }
0x2f: {  	[sflag:s21] =	ssyncset.done $0x0  }
0x30: {  	[sflag:s21] =	ssyncadd.s32 $0xFFFFD800  }
0x31: {  	[tilespmem:s16], [sflag:$0x1] =	stream.indirect.gather [hbm4b:s4+s15], $0x80, s22, s15, $0xb8;
	[tilespmem:$0x1FEA0] =	vst v63  }
0x32: {  	_ =	swait.ge [sflag:s23], $0x2800  }
0x33: {  	[sflag:s23] =	ssyncset.done $0x0  }
0x34: {  	[sflag:s23] =	ssyncadd.s32 $0xFFFFD800  }
0x35: {  	[spmem:s2] =	stream.indirect.scatter.add.f32 [tilespmem:s19], [sflag:$0x6], $0x80, s24, s15, $0xb8;
	[tilespmem:$0x1FEA0] =	vst v63  }
0x36: {  	_ =	swait.ge [sflag:s25], $0x2800  }
0x37: {  	[sflag:s25] =	ssyncset.done $0x0  }
0x38: {  	[sflag:s25] =	ssyncadd.s32 $0xFFFFD800  }
0x39: {  	[tilespmem:s17], [sflag:$0x2] =	stream.indirect.gather [hbm4b:s4+s15], $0x80, s26, s15, $0xb8;
	[tilespmem:$0x1FEA0] =	vst v63  }
0x3a: {  	_ =	swait.ge [sflag:s13], $0x2800  }
0x3b: {  	[sflag:s13] =	ssyncset.done $0x0  }
0x3c: {  	s18 =	simm.s32 $0x2800;
	[sflag:s13] =	ssyncadd.s32 $0xFFFFD800  }
0x3d: {  	[spmem:s2] =	stream.indirect.scatter.add.f32 [tilespmem:s16], [sflag:$0x4], $0x80, s18, s15, $0xb8;
	[tilespmem:$0x1FEA0] =	vst v63  }
0x3e: {  	_ =	swait.ge [sflag:s28], $0x2800  }
0x3f: {  	[sflag:s28] =	ssyncset.done $0x0  }
0x40: {  	s1 =	simm.s32 $0x190;
	[sflag:s28] =	ssyncadd.s32 $0xFFFFD800  }
0x41: {  	[tilespmem:s19], [sflag:$0x3] =	stream.indirect.gather [hbm4b:s4+s15], $0x80, s1, s15, $0xb8;
	[tilespmem:$0x1FEA0] =	vst v63  }
0x42: {  	_ =	swait.ge [sflag:s14], $0x2800  }
0x43: {  	[sflag:s14] =	ssyncset.done $0x0  }
0x44: {  	s18 =	simm.s32 $0x2850;
	[sflag:s14] =	ssyncadd.s32 $0xFFFFD800  }
0x45: {  	[spmem:s2] =	stream.indirect.scatter.add.f32 [tilespmem:s17], [sflag:$0x5], $0x80, s18, s15, $0xb8;
	[tilespmem:$0x1FEA0] =	vst v63  }
0x46: {  	_ =	swait.ge [sflag:s21], $0x2800  }
0x47: {  	[sflag:s21] =	ssyncset.done $0x0  }
0x48: {  	s1 =	simm.s32 $0x1E0;
	[sflag:s21] =	ssyncadd.s32 $0xFFFFD800  }
0x49: {  	[tilespmem:s16], [sflag:$0x1] =	stream.indirect.gather [hbm4b:s4+s15], $0x80, s1, s15, $0xb8;
	[tilespmem:$0x1FEA0] =	vst v63  }
0x4a: {  	_ =	swait.ge [sflag:s23], $0x2800  }
0x4b: {  	[sflag:s23] =	ssyncset.done $0x0  }
0x4c: {  	s18 =	simm.s32 $0x28A0;
	[sflag:s23] =	ssyncadd.s32 $0xFFFFD800  }
0x4d: {  	[spmem:s2] =	stream.indirect.scatter.add.f32 [tilespmem:s19], [sflag:$0x6], $0x80, s18, s15, $0xb8;
	[tilespmem:$0x1FEA0] =	vst v63  }
0x4e: {  	_ =	swait.ge [sflag:s25], $0x2800  }
0x4f: {  	[sflag:s25] =	ssyncset.done $0x0  }
0x50: {  	s0 =	simm.s32 $0x3C0;
	s1 =	simm.s32 $0x230;
	[sflag:s25] =	ssyncadd.s32 $0xFFFFD800  }
.LBB2_2:
0x51: {  	[tilespmem:s17], [sflag:$0x2] =	stream.indirect.gather [hbm4b:s4+s15], $0x80, s1, s15, $0xb8;
	[tilespmem:$0x1FEA0] =	vst v63  }
0x52: {  	s1 =	smov.u32 s0  }
0x53: {  	p1 =	sne.s32 s0, $0x9240;
	s0 =	sadd.s32 $0x3C0, s0;
	_ =	swait.ge [sflag:s13], $0x2800  }
0x54: {  	s1 =	sshra.s32 s1, $0x2;
	[sflag:s13] =	ssyncset.done $0x0  }
0x55: {  	s18 =	sadd.s32 $0x2800, s1;
	[sflag:s13] =	ssyncadd.s32 $0xFFFFD800  }
0x56: {  	[spmem:s2] =	stream.indirect.scatter.add.f32 [tilespmem:s16], [sflag:$0x4], $0x80, s18, s15, $0xb8;
	[tilespmem:$0x1FEA0] =	vst v63  }
0x57: {  	_ =	swait.ge [sflag:s28], $0x2800  }
0x58: {  	[sflag:s28] =	ssyncset.done $0x0  }
0x59: {  	s18 =	sadd.s32 $0x190, s1;
	[sflag:s28] =	ssyncadd.s32 $0xFFFFD800  }
0x5a: {  	[tilespmem:s19], [sflag:$0x3] =	stream.indirect.gather [hbm4b:s4+s15], $0x80, s18, s15, $0xb8;
	[tilespmem:$0x1FEA0] =	vst v63  }
0x5b: {  	_ =	swait.ge [sflag:s14], $0x2800  }
0x5c: {  	[sflag:s14] =	ssyncset.done $0x0  }
0x5d: {  	s18 =	sadd.s32 $0x2850, s1;
	[sflag:s14] =	ssyncadd.s32 $0xFFFFD800  }
0x5e: {  	[spmem:s2] =	stream.indirect.scatter.add.f32 [tilespmem:s17], [sflag:$0x5], $0x80, s18, s15, $0xb8;
	[tilespmem:$0x1FEA0] =	vst v63  }
0x5f: {  	_ =	swait.ge [sflag:s21], $0x2800  }
0x60: {  	[sflag:s21] =	ssyncset.done $0x0  }
0x61: {  	s18 =	sadd.s32 $0x1E0, s1;
	[sflag:s21] =	ssyncadd.s32 $0xFFFFD800  }
0x62: {  	[tilespmem:s16], [sflag:$0x1] =	stream.indirect.gather [hbm4b:s4+s15], $0x80, s18, s15, $0xb8;
	[tilespmem:$0x1FEA0] =	vst v63  }
0x63: {  	_ =	swait.ge [sflag:s23], $0x2800  }
0x64: {  	[sflag:s23] =	ssyncset.done $0x0  }
.Ltmp0:
0x65: {  	s18 =	sadd.s32 $0x28A0, s1;
	[sflag:s23] =	ssyncadd.s32 $0xFFFFD800;
	(pc) =	sbr.rel @p1 .LBB2_2-.Ltmp0, $4  }
0x66: {  	[spmem:s2] =	stream.indirect.scatter.add.f32 [tilespmem:s19], [sflag:$0x6], $0x80, s18, s15, $0xb8;
	[tilespmem:$0x1FEA0] =	vst v63  }
0x67: {  	_ =	swait.ge [sflag:s25], $0x2800  }
0x68: {  	[sflag:s25] =	ssyncset.done $0x0  }
0x69: {  	s1 =	sadd.s32 $0x230, s1;
	[sflag:s25] =	ssyncadd.s32 $0xFFFFD800  }
0x6a: {  	[tilespmem:s17], [sflag:$0x2] =	stream.indirect.gather [hbm4b:s4+s15], $0x80, s1, s15, $0xb8;
	[tilespmem:$0x1FEA0] =	vst v63  }
0x6b: {  	_ =	swait.ge [sflag:s13], $0x2800  }
0x6c: {  	[sflag:s13] =	ssyncset.done $0x0  }
0x6d: {  	[sflag:s13] =	ssyncadd.s32 $0xFFFFD800  }
0x6e: {  	[spmem:s2] =	stream.indirect.scatter.add.f32 [tilespmem:s16], [sflag:$0x4], $0x80, s29, s15, $0xb8;
	[tilespmem:$0x1FEA0] =	vst v63  }
0x6f: {  	_ =	swait.ge [sflag:s28], $0x2800  }
0x70: {  	[sflag:s28] =	ssyncset.done $0x0  }
0x71: {  	[sflag:s28] =	ssyncadd.s32 $0xFFFFD800  }
0x72: {  	_ =	swait.ge [sflag:s14], $0x2800  }
0x73: {  	[sflag:s14] =	ssyncset.done $0x0  }
0x74: {  	[sflag:s14] =	ssyncadd.s32 $0xFFFFD800  }
0x75: {  	[spmem:s2] =	stream.indirect.scatter.add.f32 [tilespmem:s17], [sflag:$0x5], $0x80, s30, s15, $0xb8;
	[tilespmem:$0x1FEA0] =	vst v63  }
0x76: {  	_ =	swait.ge [sflag:s21], $0x2800  }
0x77: {  	[sflag:s21] =	ssyncset.done $0x0  }
0x78: {  	[sflag:s21] =	ssyncadd.s32 $0xFFFFD800  }
0x79: {  	_ =	swait.ge [sflag:s25], $0x2800  }
0x7a: {  	s31 =	sadd.s32 $0x1, s31;
	[sflag:s25] =	ssyncset.done $0x0  }
0x7b: {  	p1 =	sne.s32 s31, s9;
	[sflag:s25] =	ssyncadd.s32 $0xFFFFD800  }
.Ltmp1:
0x7c: {  	s0 =	simm.s32 @!p0 $0x7;
	[bflag:$0x0] =	sbarrier.arrive $0xFFFF;
	(pc) =	sbr.rel @p1 .LBB2_1-.Ltmp1, $4  }
0x7d: {  	[hbm:s8], [sflag:s11] =	dma.local @!p0 [spmem:s12], $0x3E80  }
0x7e: {  	_ =	swait.ge @!p0 [sflag:s0], $0x3E80  }
0x7f: {  	[sflag:s0] =	ssyncset.done @!p0 $0x0  }
0x80: {  	[sflag:s0] =	ssyncadd.s32 @!p0 $0xFFFFC180  }
0x81: {  	_ =	sfence.sel $0x180000  }
0x82: {  	[bflag:$0x0] =	sbarrier.arrive $0xFFFF  }
0x83: {  	_ =	strace $0x9000004A  }
0x84: {  	s0 =	stileid.u32;
	[bflag:$0x2] =	sbarrier.arrive $0xFFFF  }
0x85: {  	p0 =	sne.s32 s0, $0x0;
	s0 =	rddreg [dreg:$0x2]  }
0x86: {  	s0 =	sadd.s32 @!p0 $0x100000, s0  }
0x87: {  	[sflag:s0] =	ssyncadd.tile.s32 @!p0 $0x1;
	_ =	shalt  }
.Lfunc_end2:
_tile_overlayer_lowered:
.L_overlay_start_2:
0x88: {  	(tag) =	ssettag $0x2  }
0x89: {  	s0 =	rddreg [dreg:$0x0];
	s2 =	stileid.u32  }
0x8a: {  	s1 =	rddreg [dreg:$0x1];
	p0 =	sne.s32 s2, $0x0  }
0x8b: {  	s3 =	rddreg [dreg:$0x2];
	[bflag:$0x3] =	sbarrier.arrive $0xFFFF;
	s2 =	simm.s32 @!p0 $0x1C07  }
0x8c: {  	[timem:s3], [sflag:s2] =	dma.local @!p0 [hbm:s0], s1  }
0x8d: {  	s0 =	simm.s32 @!p0 $0x7  }
0x8e: {  	_ =	swait.ge @!p0 [sflag:s0], s1  }
0x8f: {  	s1 =	ssub.s32 @!p0 $0x0, s1;
	[sflag:s0] =	ssyncset.done @!p0 $0x0  }
0x90: {  	[sflag:s0] =	ssyncadd.s32 @!p0 s1  }
0x91: {  	[bflag:$0x3] =	sbarrier.arrive $0xFFFF  }
0x92: {  	_ =	shalt  }

// kernel: kernel.14.cloned.1.call-start
scs
__scs_entry_jumppad:
0x0: {  	(pc) =	sbr.rel $0x88, $3  }
0x1: {  	(tag) =	ssettag $0x0;
	lr =	simm.s32 $0x1  }
0x2: {  	[smem:$0x3F9B] =	sst lr;
	_ =	strace $0xD0000000  }
0x3: {  	_ = 	snop  }
0x4: {  	_ = 	snop  }
0x5: {  	_ = 	snop  }
0x6: {  	_ = 	snop  }
0x7: {  	_ = 	snop  }
__scs_overlays_trampoline_lowered:
0x8: {  	[smem:$0x3FAA] =	sst s0  }
0x9: {  	[smem:$0x3FAB] =	sst s1  }
0xa: {  	[smem:$0x3FAC] =	sst s2  }
0xb: {  	[smem:$0x3FAD] =	sst s3  }
0xc: {  	[smem:$0x3FAE] =	sst s4  }
0xd: {  	[smem:$0x3FAF] =	sst s5  }
0xe: {  	[smem:$0x3FB0] =	sst s6  }
0xf: {  	[smem:$0x3FB1] =	sst s7  }
0x10: {  	[smem:$0x3FB2] =	sst s8  }
0x11: {  	[smem:$0x3FB3] =	sst s9;
	s0 =	simm.s32 @!p0 $0x0  }
0x12: {  	s1 =	sld [smem:$0x3F99];
	s0 =	simm.s32 @p0 $0x1  }
0x13: {  	[smem:$0x3FB4] =	sst s0;
	s0 =	simm.s32 @!p1 $0x0  }
0x14: {  	s2 =	sld [smem:$0x3F98];
	s0 =	simm.s32 @p1 $0x1  }
0x15: {  	[smem:$0x3FB5] =	sst s0;
	s0 =	simm.s32 @!p2 $0x0  }
0x16: {  	s3 =	sld [smem:$0x3FDB];
	s0 =	simm.s32 @p2 $0x1  }
0x17: {  	s4 =	simm.s32 $0x1BF5;
	[smem:$0x3FB7] =	sst s0  }
0x18: {  	s0 =	sld [smem:$0x3F9A];
	_ =	swait.ge [sflag:s4], $0x0  }
0x19: {  	s7 =	sld [smem:$0x3F9B]  }
0x1a: {  	s8 =	sadd.s32 $0xFFFFE003, lr  }
0x1b: {  	s9 =	sadd.s32 $0xFFFFFEF7, lr;
	s5 =	simm.s32 $0xFFFFFFFF;
	p2 =	slt.u32 s8, $0xFFFFF086  }
0x1c: {  	p1 =	slt.u32 s9, $0xF7A;
	s5 =	simm.s32 @!p2 $0x0  }
0x1d: {  	s5 =	simm.s32 @p1 $0x1;
	p0 =	seq.s32 s7, s2  }
0x1e: {  	s7 =	smul.u32 @!p0 $0xF7A, s2;
	p2 =	seq.s32 @!p0 s5, $0x0  }
0x1f: {  	s9 =	smul.u32 $0xF7A, s1;
	s8 =	simm.s32 @!p0 $0x1BF5;
	p2 =	por !p2, p0  }
0x20: {  	[sflag:s8] =	ssyncset.s32 @!p0 $0xFFFFF086;
	s6 =	sadd.s32 @!p0 s3, s7;
	s7 =	simm.s32 @!p0 $0x108  }
0x21: {  	s3 =	sadd.s32 s3, s9;
	s6 =	sadd.s32 @!p0 $0x88, s6;
	s7 =	simm.s32 @p2 $0x1082  }
0x22: {  	[simem:s7], [sflag:s8] =	dma.local @!p0 [hbm:s6], $0xF7A  }
0x23: {  	s9 =	sor.u32 $0xD0000000, s2;
	s6 =	simm.s32 $0x108;
	_ =	swait.ge @!p0 [sflag:s8], $0x0  }
0x24: {  	s3 =	sadd.s32 $0x88, s3;
	s6 =	simm.s32 @!p1 $0x1082;
	[sflag:s4] =	ssyncset.s32 $0xFFFFF086  }
0x25: {  	[simem:s6], [sflag:s4] =	dma.local [hbm:s3], $0xF7A  }
0x26: {  	[smem:$0x3F9B] =	sst s1;
	(tag) =	ssettag s2;
	_ =	strace s9  }
0x27: {  	s1 =	sld [smem:$0x3FAB]  }
0x28: {  	s2 =	sld [smem:$0x3FAC]  }
0x29: {  	s4 =	sld [smem:$0x3FAE]  }
0x2a: {  	p0 =	seq.s32 s5, $0x0;
	s5 =	sld [smem:$0x3FAF]  }
0x2b: {  	s6 =	sld [smem:$0x3FB0]  }
0x2c: {  	s7 =	sld [smem:$0x3FB1]  }
0x2d: {  	s3 =	simm.s32 $0x108;
	s8 =	sld [smem:$0x3FB2]  }
0x2e: {  	s3 =	simm.s32 @!p0 $0x1082;
	s9 =	sld [smem:$0x3FB3]  }
0x2f: {  	lr =	sadd.s32 s0, s3;
	s0 =	sld [smem:$0x3FAA]  }
0x30: {  	s3 =	sld [smem:$0x3FAD]  }
0x31: {  	[smem:$0x3FB6] =	sst s10  }
0x32: {  	s10 =	sld [smem:$0x3FB4];
	_ =	sdelay $0x3  }
0x33: {  	p0 =	seq.s32 s10, $0x1;
	s10 =	sld [smem:$0x3FB6];
	_ =	sdelay $0x3  }
0x34: {  	[smem:$0x3FB6] =	sst s10  }
0x35: {  	s10 =	sld [smem:$0x3FB5];
	_ =	sdelay $0x3  }
0x36: {  	p1 =	seq.s32 s10, $0x1;
	s10 =	sld [smem:$0x3FB6];
	_ =	sdelay $0x3  }
0x37: {  	[smem:$0x3FB6] =	sst s10  }
0x38: {  	s10 =	sld [smem:$0x3FB7]  }
0x39: {  	_ = 	snop;
	(pc) =	sbr.ind lr, $3  }
0x3a: {  	_ = 	snop  }
0x3b: {  	_ = 	snop  }
0x3c: {  	p2 =	seq.s32 s10, $0x1;
	s10 =	sld [smem:$0x3FB6]  }
0x3d: {  	_ =	shalt  }
0x3e: {  	_ =	shalt  }
0x3f: {  	_ =	shalt  }
0x40: {  	_ =	shalt  }
0x41: {  	_ =	shalt  }
0x42: {  	_ =	shalt  }
0x43: {  	_ =	shalt  }
0x44: {  	_ =	shalt  }
0x45: {  	_ =	shalt  }
0x46: {  	_ =	shalt  }
0x47: {  	_ =	shalt  }
0x48: {  	_ =	shalt  }
0x49: {  	_ =	shalt  }
0x4a: {  	_ =	shalt  }
0x4b: {  	_ =	shalt  }
0x4c: {  	_ =	shalt  }
0x4d: {  	_ =	shalt  }
0x4e: {  	_ =	shalt  }
0x4f: {  	_ =	shalt  }
0x50: {  	_ =	shalt  }
0x51: {  	_ =	shalt  }
0x52: {  	_ =	shalt  }
0x53: {  	_ =	shalt  }
0x54: {  	_ =	shalt  }
0x55: {  	_ =	shalt  }
0x56: {  	_ =	shalt  }
0x57: {  	_ =	shalt  }
0x58: {  	_ =	shalt  }
0x59: {  	_ =	shalt  }
0x5a: {  	_ =	shalt  }
0x5b: {  	_ =	shalt  }
0x5c: {  	_ =	shalt  }
0x5d: {  	_ =	shalt  }
0x5e: {  	_ =	shalt  }
0x5f: {  	_ =	shalt  }
0x60: {  	_ =	shalt  }
0x61: {  	_ =	shalt  }
0x62: {  	_ =	shalt  }
0x63: {  	_ =	shalt  }
0x64: {  	_ =	shalt  }
0x65: {  	_ =	shalt  }
0x66: {  	_ =	shalt  }
0x67: {  	_ =	shalt  }
0x68: {  	_ =	shalt  }
0x69: {  	_ =	shalt  }
0x6a: {  	_ =	shalt  }
0x6b: {  	_ =	shalt  }
0x6c: {  	_ =	shalt  }
0x6d: {  	_ =	shalt  }
0x6e: {  	_ =	shalt  }
0x6f: {  	_ =	shalt  }
0x70: {  	_ =	shalt  }
0x71: {  	_ =	shalt  }
0x72: {  	_ =	shalt  }
0x73: {  	_ =	shalt  }
0x74: {  	_ =	shalt  }
0x75: {  	_ =	shalt  }
0x76: {  	_ =	shalt  }
0x77: {  	_ =	shalt  }
0x78: {  	_ =	shalt  }
0x79: {  	_ =	shalt  }
0x7a: {  	_ =	shalt  }
0x7b: {  	_ =	shalt  }
0x7c: {  	_ =	shalt  }
0x7d: {  	_ =	shalt  }
0x7e: {  	_ =	shalt  }
0x7f: {  	_ =	shalt  }
0x80: {  	_ =	shalt  }
0x81: {  	_ =	shalt  }
0x82: {  	_ =	shalt  }
0x83: {  	_ =	shalt  }
0x84: {  	_ =	shalt  }
0x85: {  	_ =	shalt  }
0x86: {  	_ =	shalt  }
0x87: {  	_ =	shalt  }
.Lfunc_end0:
.L_simem_size_0:
called_computation.2_lowered:
.L_overlay_start_0:
0x88: {  	s2 =	sld [smem:$0x3FD9]  }
0x89: {  	s3 =	sld [smem:$0x3FFE];
	_ =	sdelay $0x1  }
0x8a: {  	s1 =	srdreg.scid  }
0x8b: {  	s0 =	sand.u32 $0x1, s1  }
0x8c: {  	s16 =	sshll.u32 s0, $0xA;
	s2 =	sadd.s32 s3, s2  }
0x8d: {  	s2 =	sadd.s32 s2, s16  }
0x8e: {  	[smem:$0x3FC2] =	sst s2  }
0x8f: {  	_ = 	snop  }
0x90: {  	(tm) =	ssettm $0x1  }
0x91: {  	s17 =	sld [smem:$0x3FFB];
	_ =	sdelay $0x3  }
0x92: {  	_ =	strace s17  }
0x93: {  	s2 =	sld [smem:$0x3FFC];
	_ =	sdelay $0x3  }
0x94: {  	_ =	strace s2  }
0x95: {  	s2 =	sld [smem:$0x3FFD];
	_ =	sdelay $0x3  }
0x96: {  	_ =	strace s2  }
0x97: {  	_ =	strace $0x8FFFFFFF  }
0x98: {  	s18 =	sld [smem:$0x3FDB];
	_ =	sdelay $0x1  }
0x99: {  	s19 =	simm.s32 $_scs_section_size  }
0x9a: {  	s4 =	simm.s32 $_size__tile_overlayer_lowered;
	s5 =	simm.s32 $_tile_overlayer_lowered  }
0x9b: {  	s22 =	simm.s32 $0x1BFF;
	s21 =	sshll.u32 s5, $0x1;
	s2 =	sadd.s32 s19, s18  }
0x9c: {  	s6 =	simm.s32 $0x0;
	s20 =	sshll.u32 s4, $0x1;
	s4 =	sadd.s32 s21, s2  }
0x9d: {  	[timem:s6], [sflag:s22] =	dma.local [hbm:s4], s20  }
0x9e: {  	_ =	swait.ge [sflag:s22], s20  }
0x9f: {  	s3 =	ssub.s32 $0x0, s20;
	[sflag:s22] =	ssyncset.done $0x0  }
0xa0: {  	[sflag:s22] =	ssyncadd.s32 s3;
	_ =	sdelay $0x1  }
0xa1: {  	s23 =	simm.s32 $0x1B8B  }
0xa2: {  	_ =	swait.ge [sflag:s23], $0x1  }
0xa3: {  	[sflag:s23] =	ssyncset.done $0x0  }
0xa4: {  	s25 =	simm.s32 $0x1B8E;
	s24 =	sld [smem:$0x3FFE];
	[sflag:s23] =	ssyncadd.s32 $0xFFFFFFFF  }
0xa5: {  	s26 =	simm.s32 $execute0_lowered;
	[smem:$0x3FD2] =	sst s25  }
0xa6: {  	s4 =	sshll.u32 s26, $0x1;
	_ =	strace $0x8000004C;
	[dreg:$0x1] =	wrdreg $0xFFFFFFFF  }
0xa7: {  	s28 =	simm.s32 $_size_execute0_lowered;
	s2 =	sadd.s32 s2, s4;
	[dreg:$0x0] =	wrdreg $0x0  }
0xa8: {  	s4 =	sshll.u32 s28, $0x1;
	[dreg:$0x2] =	wrdreg s2  }
0xa9: {  	[dreg:$0x3] =	wrdreg s4  }
0xaa: {  	[dreg:$0x4] =	wrdreg $0xC0  }
0xab: {  	_ =	task [dreg:s6], $0x5FFFF  }
0xac: {  	[dreg:$0x1] =	wrdreg $0xFFFFFFFF  }
0xad: {  	[dreg:$0x0] =	wrdreg $0x60  }
0xae: {  	[dreg:$0x2] =	wrdreg s24  }
0xaf: {  	[dreg:$0x3] =	wrdreg $0xC6200  }
0xb0: {  	[dreg:$0x4] =	wrdreg $0x9  }
0xb1: {  	_ =	task.clear_ibuf [dreg:s6], $0x5FFFF;
	_ =	strace $0x9000004C  }
0xb2: {  	s29 =	simm.s32 $0x9;
	_ =	strace $0x8000004E  }
0xb3: {  	_ =	swait.ge [sflag:s29], $0x1  }
0xb4: {  	[sflag:s29] =	ssyncadd.s32 $0xFFFFFFFF  }
0xb5: {  	_ =	strace $0x9000004E  }
0xb6: {  	_ =	sfence  }
0xb7: {  	s30 =	sld [smem:$0x0];
	_ =	sdelay $0x2  }
0xb8: {  	s31 =	sshll.u32 s1, $0xD;
	s1 =	sshrl.u32 s1, $0x2  }
0xb9: {  	s3 =	sand.u32 $0x4000, s31;
	s1 =	sadd.s32 s1, s30  }
0xba: {  	s0 =	sor.u32 s3, s0;
	s1 =	sshll.u32 s1, $0x11  }
0xbb: {  	s0 =	sor.u32 s1, s0  }
0xbc: {  	s0 =	sadd.s32 $0x8F2B, s0  }
0xbd: {  	[sflag:s0] =	ssyncadd.remote.s32 $0x1  }
0xbe: {  	_ =	sfence.sel $0xFFFF  }
0xbf: {  	[dreg:$0x0] =	wrdreg $0xFFFFFFFF;
	(pc) =	sbr.abs _section_cstart, $3  }
0xc0: {  	[dreg:$0x1] =	wrdreg $0xFFFFFFFF  }
0xc1: {  	_ =	task.clear_ibuf [dreg:s6], $0x2FFFF;
	_ =	strace $0x9FFFFFFF  }
0xc2: {  	(tm) =	ssettm $0x7FFFFFFF  }
0xc3: {  	_ =	shalt  }
tec
execute0_lowered:
.L_overlay_start_1:
0x0: {  	(tag) =	ssettag $0x1  }
0x1: {  	s0 =	rddreg [dreg:$0x0]  }
0x2: {  	s2 =	rddreg [dreg:$0x1]  }
0x3: {  	s1 =	srdreg.scid;
	s10 =	stileid.u32;
	s3 =	simm.s32 $0x0  }
0x4: {  	s13 =	simm.s32 $0x1;
	s14 =	simm.s32 $0x2;
	s15 =	simm.s32 $0x50  }
0x5: {  	s16 =	simm.s32 $0x4E20;
	s17 =	simm.s32 $0x7620;
	s19 =	simm.s32 $0x9E20  }
0x6: {  	s20 =	simm.s32 $0x2760;
	s21 =	simm.s32 $0x4;
	s22 =	simm.s32 $0xF0  }
0x7: {  	s23 =	simm.s32 $0x3;
	s24 =	simm.s32 $0x27B0;
	s25 =	simm.s32 $0x5  }
0x8: {  	s28 =	simm.s32 $0x6;
	s29 =	simm.s32 $0x4D80;
	s30 =	simm.s32 $0x4DD0  }
0x9: {  	s31 =	simm.s32 $0x0;
	s1 =	sand.u32 $0x1, s1;
	s7 =	smul.u32 $0x1F400, s10  }
0xa: {  	[smem:$0x7FF] =	sst s3;
	p0 =	sgt.u32 s10, $0x9;
	s4 =	sshll.u32 s1, $0x4  }
0xb: {  	s5 =	smul.u32 $0x138800, s1;
	_ =	strace $0x8000004D;
	s1 =	ssub.s32 $0x2, s1  }
0xc: {  	s4 =	sor.u32 s10, s4;
	s8 =	sshrl.u32 s1, $0x1;
	s26 =	sshrl.u32 s7, $0x3  }
0xd: {  	s12 =	sadd.s32 s7, s2;
	s6 =	smul.u32 $0x4E2, s4;
	s5 =	sadd.s32 s7, s5  }
0xe: {  	s4 =	sadd.s32 $0x16800, s0;
	s1 =	ssub.s32 s1, s8;
	s12 =	sshrl.u32 @!p0 s12, $0x3  }
0xf: {  	s5 =	sshrl.u32 s5, $0x3;
	s7 =	sadd.s32 s4, s26;
	s9 =	smax.u32 s1, $0x1  }
0x10: {  	s26 =	simm.s32 $0x140;
	s6 =	sadd.s32 s6, s0;
	s0 =	sadd.s32 s5, s0  }
0x11: {  	s5 =	sadd.s32 $0x2C00, s6;
	s8 =	sadd.s32 $0x3DA00, s0;
	s0 =	sshll.u32 @!p0 s10, $0x6  }
0x12: {  	s6 =	sadd.s32 $0xCA00, s6;
	s10 =	simm.s32 $0x2710;
	s11 =	sor.u32 @!p0 $0x1C07, s0  }
.LBB2_1:
0x13: {  	[tilespmem:s3], [sflag:$0x1] =	stream.linear.gather [hbm4b:s5+s3], $0x2710, $0x38;
	[tilespmem:$0x1FEA0] =	vst v63  }
0x14: {  	s0 =	simm.s32 @!p0 $0x7  }
0x15: {  	[tilespmem:s10], [sflag:$0x2] =	stream.linear.gather [hbm4b:s6+s3], $0x2710, $0x38;
	[tilespmem:$0x1FEA0] =	vst v63  }
0x16: {  	[spmem:s12], [sflag:s11] =	dma.local @!p0 [hbm:s7], $0x3E80  }
0x17: {  	_ =	swait.ge @!p0 [sflag:s0], $0x3E80  }
0x18: {  	[sflag:s0] =	ssyncset.done @!p0 $0x0  }
0x19: {  	[sflag:s0] =	ssyncadd.s32 @!p0 $0xFFFFC180  }
0x1a: {  	_ =	swait.ge [sflag:s13], $0x2710  }
0x1b: {  	[sflag:s13] =	ssyncset.done $0x0  }
0x1c: {  	[sflag:s13] =	ssyncadd.s32 $0xFFFFD8F0  }
0x1d: {  	_ =	swait.ge [sflag:s14], $0x2710  }
0x1e: {  	[sflag:s14] =	ssyncset.done $0x0  }
0x1f: {  	[sflag:s14] =	ssyncadd.s32 $0xFFFFD8F0  }
0x20: {  	[bflag:$0x0] =	sbarrier.arrive $0xFFFF  }
0x21: {  	[tilespmem:s16], [sflag:$0x1] =	stream.indirect.gather [hbm4b:s4+s15], $0x80, s3, s15, $0xb8;
	[tilespmem:$0x1FEA0] =	vst v63  }
0x22: {  	_ = 	snop  }
0x23: {  	[tilespmem:s17], [sflag:$0x2] =	stream.indirect.gather [hbm4b:s4+s15], $0x80, s15, s15, $0xb8;
	[tilespmem:$0x1FEA0] =	vst v63  }
0x24: {  	_ =	swait.ge [sflag:s13], $0x2800  }
0x25: {  	[sflag:s13] =	ssyncset.done $0x0  }
0x26: {  	[sflag:s13] =	ssyncadd.s32 $0xFFFFD800  }
0x27: {  	[spmem:s2] =	stream.indirect.scatter.add.f32 [tilespmem:s16], [sflag:$0x4], $0x80, s10, s15, $0xb8;
	[tilespmem:$0x1FEA0] =	vst v63  }
0x28: {  	s1 =	simm.s32 $0xA0  }
0x29: {  	[tilespmem:s19], [sflag:$0x3] =	stream.indirect.gather [hbm4b:s4+s15], $0x80, s1, s15, $0xb8;
	[tilespmem:$0x1FEA0] =	vst v63  }
0x2a: {  	_ =	swait.ge [sflag:s14], $0x2800  }
0x2b: {  	[sflag:s14] =	ssyncset.done $0x0  }
0x2c: {  	[sflag:s14] =	ssyncadd.s32 $0xFFFFD800  }
0x2d: {  	[spmem:s2] =	stream.indirect.scatter.add.f32 [tilespmem:s17], [sflag:$0x5], $0x80, s20, s15, $0xb8;
	[tilespmem:$0x1FEA0] =	vst v63  }
0x2e: {  	_ =	swait.ge [sflag:s21], $0x2800  }
0x2f: {  	[sflag:s21] =	ssyncset.done $0x0  }
0x30: {  	[sflag:s21] =	ssyncadd.s32 $0xFFFFD800  }
0x31: {  	[tilespmem:s16], [sflag:$0x1] =	stream.indirect.gather [hbm4b:s4+s15], $0x80, s22, s15, $0xb8;
	[tilespmem:$0x1FEA0] =	vst v63  }
0x32: {  	_ =	swait.ge [sflag:s23], $0x2800  }
0x33: {  	[sflag:s23] =	ssyncset.done $0x0  }
0x34: {  	[sflag:s23] =	ssyncadd.s32 $0xFFFFD800  }
0x35: {  	[spmem:s2] =	stream.indirect.scatter.add.f32 [tilespmem:s19], [sflag:$0x6], $0x80, s24, s15, $0xb8;
	[tilespmem:$0x1FEA0] =	vst v63  }
0x36: {  	_ =	swait.ge [sflag:s25], $0x2800  }
0x37: {  	[sflag:s25] =	ssyncset.done $0x0  }
0x38: {  	[sflag:s25] =	ssyncadd.s32 $0xFFFFD800  }
0x39: {  	[tilespmem:s17], [sflag:$0x2] =	stream.indirect.gather [hbm4b:s4+s15], $0x80, s26, s15, $0xb8;
	[tilespmem:$0x1FEA0] =	vst v63  }
0x3a: {  	_ =	swait.ge [sflag:s13], $0x2800  }
0x3b: {  	[sflag:s13] =	ssyncset.done $0x0  }
0x3c: {  	s18 =	simm.s32 $0x2800;
	[sflag:s13] =	ssyncadd.s32 $0xFFFFD800  }
0x3d: {  	[spmem:s2] =	stream.indirect.scatter.add.f32 [tilespmem:s16], [sflag:$0x4], $0x80, s18, s15, $0xb8;
	[tilespmem:$0x1FEA0] =	vst v63  }
0x3e: {  	_ =	swait.ge [sflag:s28], $0x2800  }
0x3f: {  	[sflag:s28] =	ssyncset.done $0x0  }
0x40: {  	s1 =	simm.s32 $0x190;
	[sflag:s28] =	ssyncadd.s32 $0xFFFFD800  }
0x41: {  	[tilespmem:s19], [sflag:$0x3] =	stream.indirect.gather [hbm4b:s4+s15], $0x80, s1, s15, $0xb8;
	[tilespmem:$0x1FEA0] =	vst v63  }
0x42: {  	_ =	swait.ge [sflag:s14], $0x2800  }
0x43: {  	[sflag:s14] =	ssyncset.done $0x0  }
0x44: {  	s18 =	simm.s32 $0x2850;
	[sflag:s14] =	ssyncadd.s32 $0xFFFFD800  }
0x45: {  	[spmem:s2] =	stream.indirect.scatter.add.f32 [tilespmem:s17], [sflag:$0x5], $0x80, s18, s15, $0xb8;
	[tilespmem:$0x1FEA0] =	vst v63  }
0x46: {  	_ =	swait.ge [sflag:s21], $0x2800  }
0x47: {  	[sflag:s21] =	ssyncset.done $0x0  }
0x48: {  	s1 =	simm.s32 $0x1E0;
	[sflag:s21] =	ssyncadd.s32 $0xFFFFD800  }
0x49: {  	[tilespmem:s16], [sflag:$0x1] =	stream.indirect.gather [hbm4b:s4+s15], $0x80, s1, s15, $0xb8;
	[tilespmem:$0x1FEA0] =	vst v63  }
0x4a: {  	_ =	swait.ge [sflag:s23], $0x2800  }
0x4b: {  	[sflag:s23] =	ssyncset.done $0x0  }
0x4c: {  	s18 =	simm.s32 $0x28A0;
	[sflag:s23] =	ssyncadd.s32 $0xFFFFD800  }
0x4d: {  	[spmem:s2] =	stream.indirect.scatter.add.f32 [tilespmem:s19], [sflag:$0x6], $0x80, s18, s15, $0xb8;
	[tilespmem:$0x1FEA0] =	vst v63  }
0x4e: {  	_ =	swait.ge [sflag:s25], $0x2800  }
0x4f: {  	[sflag:s25] =	ssyncset.done $0x0  }
0x50: {  	s0 =	simm.s32 $0x3C0;
	s1 =	simm.s32 $0x230;
	[sflag:s25] =	ssyncadd.s32 $0xFFFFD800  }
.LBB2_2:
0x51: {  	[tilespmem:s17], [sflag:$0x2] =	stream.indirect.gather [hbm4b:s4+s15], $0x80, s1, s15, $0xb8;
	[tilespmem:$0x1FEA0] =	vst v63  }
0x52: {  	s1 =	smov.u32 s0  }
0x53: {  	p1 =	sne.s32 s0, $0x9240;
	s0 =	sadd.s32 $0x3C0, s0;
	_ =	swait.ge [sflag:s13], $0x2800  }
0x54: {  	s1 =	sshra.s32 s1, $0x2;
	[sflag:s13] =	ssyncset.done $0x0  }
0x55: {  	s18 =	sadd.s32 $0x2800, s1;
	[sflag:s13] =	ssyncadd.s32 $0xFFFFD800  }
0x56: {  	[spmem:s2] =	stream.indirect.scatter.add.f32 [tilespmem:s16], [sflag:$0x4], $0x80, s18, s15, $0xb8;
	[tilespmem:$0x1FEA0] =	vst v63  }
0x57: {  	_ =	swait.ge [sflag:s28], $0x2800  }
0x58: {  	[sflag:s28] =	ssyncset.done $0x0  }
0x59: {  	s18 =	sadd.s32 $0x190, s1;
	[sflag:s28] =	ssyncadd.s32 $0xFFFFD800  }
0x5a: {  	[tilespmem:s19], [sflag:$0x3] =	stream.indirect.gather [hbm4b:s4+s15], $0x80, s18, s15, $0xb8;
	[tilespmem:$0x1FEA0] =	vst v63  }
0x5b: {  	_ =	swait.ge [sflag:s14], $0x2800  }
0x5c: {  	[sflag:s14] =	ssyncset.done $0x0  }
0x5d: {  	s18 =	sadd.s32 $0x2850, s1;
	[sflag:s14] =	ssyncadd.s32 $0xFFFFD800  }
0x5e: {  	[spmem:s2] =	stream.indirect.scatter.add.f32 [tilespmem:s17], [sflag:$0x5], $0x80, s18, s15, $0xb8;
	[tilespmem:$0x1FEA0] =	vst v63  }
0x5f: {  	_ =	swait.ge [sflag:s21], $0x2800  }
0x60: {  	[sflag:s21] =	ssyncset.done $0x0  }
0x61: {  	s18 =	sadd.s32 $0x1E0, s1;
	[sflag:s21] =	ssyncadd.s32 $0xFFFFD800  }
0x62: {  	[tilespmem:s16], [sflag:$0x1] =	stream.indirect.gather [hbm4b:s4+s15], $0x80, s18, s15, $0xb8;
	[tilespmem:$0x1FEA0] =	vst v63  }
0x63: {  	_ =	swait.ge [sflag:s23], $0x2800  }
0x64: {  	[sflag:s23] =	ssyncset.done $0x0  }
.Ltmp0:
0x65: {  	s18 =	sadd.s32 $0x28A0, s1;
	[sflag:s23] =	ssyncadd.s32 $0xFFFFD800;
	(pc) =	sbr.rel @p1 .LBB2_2-.Ltmp0, $4  }
0x66: {  	[spmem:s2] =	stream.indirect.scatter.add.f32 [tilespmem:s19], [sflag:$0x6], $0x80, s18, s15, $0xb8;
	[tilespmem:$0x1FEA0] =	vst v63  }
0x67: {  	_ =	swait.ge [sflag:s25], $0x2800  }
0x68: {  	[sflag:s25] =	ssyncset.done $0x0  }
0x69: {  	s1 =	sadd.s32 $0x230, s1;
	[sflag:s25] =	ssyncadd.s32 $0xFFFFD800  }
0x6a: {  	[tilespmem:s17], [sflag:$0x2] =	stream.indirect.gather [hbm4b:s4+s15], $0x80, s1, s15, $0xb8;
	[tilespmem:$0x1FEA0] =	vst v63  }
0x6b: {  	_ =	swait.ge [sflag:s13], $0x2800  }
0x6c: {  	[sflag:s13] =	ssyncset.done $0x0  }
0x6d: {  	[sflag:s13] =	ssyncadd.s32 $0xFFFFD800  }
0x6e: {  	[spmem:s2] =	stream.indirect.scatter.add.f32 [tilespmem:s16], [sflag:$0x4], $0x80, s29, s15, $0xb8;
	[tilespmem:$0x1FEA0] =	vst v63  }
0x6f: {  	_ =	swait.ge [sflag:s28], $0x2800  }
0x70: {  	[sflag:s28] =	ssyncset.done $0x0  }
0x71: {  	[sflag:s28] =	ssyncadd.s32 $0xFFFFD800  }
0x72: {  	_ =	swait.ge [sflag:s14], $0x2800  }
0x73: {  	[sflag:s14] =	ssyncset.done $0x0  }
0x74: {  	[sflag:s14] =	ssyncadd.s32 $0xFFFFD800  }
0x75: {  	[spmem:s2] =	stream.indirect.scatter.add.f32 [tilespmem:s17], [sflag:$0x5], $0x80, s30, s15, $0xb8;
	[tilespmem:$0x1FEA0] =	vst v63  }
0x76: {  	_ =	swait.ge [sflag:s21], $0x2800  }
0x77: {  	[sflag:s21] =	ssyncset.done $0x0  }
0x78: {  	[sflag:s21] =	ssyncadd.s32 $0xFFFFD800  }
0x79: {  	_ =	swait.ge [sflag:s25], $0x2800  }
0x7a: {  	s31 =	sadd.s32 $0x1, s31;
	[sflag:s25] =	ssyncset.done $0x0  }
0x7b: {  	p1 =	sne.s32 s31, s9;
	[sflag:s25] =	ssyncadd.s32 $0xFFFFD800  }
.Ltmp1:
0x7c: {  	s0 =	simm.s32 @!p0 $0x7;
	[bflag:$0x0] =	sbarrier.arrive $0xFFFF;
	(pc) =	sbr.rel @p1 .LBB2_1-.Ltmp1, $4  }
0x7d: {  	[hbm:s8], [sflag:s11] =	dma.local @!p0 [spmem:s12], $0x3E80  }
0x7e: {  	_ =	swait.ge @!p0 [sflag:s0], $0x3E80  }
0x7f: {  	[sflag:s0] =	ssyncset.done @!p0 $0x0  }
0x80: {  	[sflag:s0] =	ssyncadd.s32 @!p0 $0xFFFFC180  }
0x81: {  	_ =	sfence.sel $0x180000  }
0x82: {  	[bflag:$0x0] =	sbarrier.arrive $0xFFFF  }
0x83: {  	_ =	strace $0x9000004D  }
0x84: {  	s0 =	stileid.u32;
	[bflag:$0x2] =	sbarrier.arrive $0xFFFF  }
0x85: {  	p0 =	sne.s32 s0, $0x0;
	s0 =	rddreg [dreg:$0x2]  }
0x86: {  	s0 =	sadd.s32 @!p0 $0x100000, s0  }
0x87: {  	[sflag:s0] =	ssyncadd.tile.s32 @!p0 $0x1;
	_ =	shalt  }
.Lfunc_end2:
_tile_overlayer_lowered:
.L_overlay_start_2:
0x88: {  	(tag) =	ssettag $0x2  }
0x89: {  	s0 =	rddreg [dreg:$0x0];
	s2 =	stileid.u32  }
0x8a: {  	s1 =	rddreg [dreg:$0x1];
	p0 =	sne.s32 s2, $0x0  }
0x8b: {  	s3 =	rddreg [dreg:$0x2];
	[bflag:$0x3] =	sbarrier.arrive $0xFFFF;
	s2 =	simm.s32 @!p0 $0x1C07  }
0x8c: {  	[timem:s3], [sflag:s2] =	dma.local @!p0 [hbm:s0], s1  }
0x8d: {  	s0 =	simm.s32 @!p0 $0x7  }
0x8e: {  	_ =	swait.ge @!p0 [sflag:s0], s1  }
0x8f: {  	s1 =	ssub.s32 @!p0 $0x0, s1;
	[sflag:s0] =	ssyncset.done @!p0 $0x0  }
0x90: {  	[sflag:s0] =	ssyncadd.s32 @!p0 s1  }
0x91: {  	[bflag:$0x3] =	sbarrier.arrive $0xFFFF  }
0x92: {  	_ =	shalt  }

// kernel: kernel.8.cloned.1.call-start
scs
__scs_entry_jumppad:
0x0: {  	(pc) =	sbr.rel $0x88, $3  }
0x1: {  	(tag) =	ssettag $0x0;
	lr =	simm.s32 $0x1  }
0x2: {  	[smem:$0x3F9B] =	sst lr;
	_ =	strace $0xD0000000  }
0x3: {  	_ = 	snop  }
0x4: {  	_ = 	snop  }
0x5: {  	_ = 	snop  }
0x6: {  	_ = 	snop  }
0x7: {  	_ = 	snop  }
__scs_overlays_trampoline_lowered:
0x8: {  	[smem:$0x3FAA] =	sst s0  }
0x9: {  	[smem:$0x3FAB] =	sst s1  }
0xa: {  	[smem:$0x3FAC] =	sst s2  }
0xb: {  	[smem:$0x3FAD] =	sst s3  }
0xc: {  	[smem:$0x3FAE] =	sst s4  }
0xd: {  	[smem:$0x3FAF] =	sst s5  }
0xe: {  	[smem:$0x3FB0] =	sst s6  }
0xf: {  	[smem:$0x3FB1] =	sst s7  }
0x10: {  	[smem:$0x3FB2] =	sst s8  }
0x11: {  	[smem:$0x3FB3] =	sst s9;
	s0 =	simm.s32 @!p0 $0x0  }
0x12: {  	s1 =	sld [smem:$0x3F99];
	s0 =	simm.s32 @p0 $0x1  }
0x13: {  	[smem:$0x3FB4] =	sst s0;
	s0 =	simm.s32 @!p1 $0x0  }
0x14: {  	s2 =	sld [smem:$0x3F98];
	s0 =	simm.s32 @p1 $0x1  }
0x15: {  	[smem:$0x3FB5] =	sst s0;
	s0 =	simm.s32 @!p2 $0x0  }
0x16: {  	s3 =	sld [smem:$0x3FDB];
	s0 =	simm.s32 @p2 $0x1  }
0x17: {  	s4 =	simm.s32 $0x1BF5;
	[smem:$0x3FB7] =	sst s0  }
0x18: {  	s0 =	sld [smem:$0x3F9A];
	_ =	swait.ge [sflag:s4], $0x0  }
0x19: {  	s7 =	sld [smem:$0x3F9B]  }
0x1a: {  	s8 =	sadd.s32 $0xFFFFE003, lr  }
0x1b: {  	s9 =	sadd.s32 $0xFFFFFEF7, lr;
	s5 =	simm.s32 $0xFFFFFFFF;
	p2 =	slt.u32 s8, $0xFFFFF086  }
0x1c: {  	p1 =	slt.u32 s9, $0xF7A;
	s5 =	simm.s32 @!p2 $0x0  }
0x1d: {  	s5 =	simm.s32 @p1 $0x1;
	p0 =	seq.s32 s7, s2  }
0x1e: {  	s7 =	smul.u32 @!p0 $0xF7A, s2;
	p2 =	seq.s32 @!p0 s5, $0x0  }
0x1f: {  	s9 =	smul.u32 $0xF7A, s1;
	s8 =	simm.s32 @!p0 $0x1BF5;
	p2 =	por !p2, p0  }
0x20: {  	[sflag:s8] =	ssyncset.s32 @!p0 $0xFFFFF086;
	s6 =	sadd.s32 @!p0 s3, s7;
	s7 =	simm.s32 @!p0 $0x108  }
0x21: {  	s3 =	sadd.s32 s3, s9;
	s6 =	sadd.s32 @!p0 $0x88, s6;
	s7 =	simm.s32 @p2 $0x1082  }
0x22: {  	[simem:s7], [sflag:s8] =	dma.local @!p0 [hbm:s6], $0xF7A  }
0x23: {  	s9 =	sor.u32 $0xD0000000, s2;
	s6 =	simm.s32 $0x108;
	_ =	swait.ge @!p0 [sflag:s8], $0x0  }
0x24: {  	s3 =	sadd.s32 $0x88, s3;
	s6 =	simm.s32 @!p1 $0x1082;
	[sflag:s4] =	ssyncset.s32 $0xFFFFF086  }
0x25: {  	[simem:s6], [sflag:s4] =	dma.local [hbm:s3], $0xF7A  }
0x26: {  	[smem:$0x3F9B] =	sst s1;
	(tag) =	ssettag s2;
	_ =	strace s9  }
0x27: {  	s1 =	sld [smem:$0x3FAB]  }
0x28: {  	s2 =	sld [smem:$0x3FAC]  }
0x29: {  	s4 =	sld [smem:$0x3FAE]  }
0x2a: {  	p0 =	seq.s32 s5, $0x0;
	s5 =	sld [smem:$0x3FAF]  }
0x2b: {  	s6 =	sld [smem:$0x3FB0]  }
0x2c: {  	s7 =	sld [smem:$0x3FB1]  }
0x2d: {  	s3 =	simm.s32 $0x108;
	s8 =	sld [smem:$0x3FB2]  }
0x2e: {  	s3 =	simm.s32 @!p0 $0x1082;
	s9 =	sld [smem:$0x3FB3]  }
0x2f: {  	lr =	sadd.s32 s0, s3;
	s0 =	sld [smem:$0x3FAA]  }
0x30: {  	s3 =	sld [smem:$0x3FAD]  }
0x31: {  	[smem:$0x3FB6] =	sst s10  }
0x32: {  	s10 =	sld [smem:$0x3FB4];
	_ =	sdelay $0x3  }
0x33: {  	p0 =	seq.s32 s10, $0x1;
	s10 =	sld [smem:$0x3FB6];
	_ =	sdelay $0x3  }
0x34: {  	[smem:$0x3FB6] =	sst s10  }
0x35: {  	s10 =	sld [smem:$0x3FB5];
	_ =	sdelay $0x3  }
0x36: {  	p1 =	seq.s32 s10, $0x1;
	s10 =	sld [smem:$0x3FB6];
	_ =	sdelay $0x3  }
0x37: {  	[smem:$0x3FB6] =	sst s10  }
0x38: {  	s10 =	sld [smem:$0x3FB7]  }
0x39: {  	_ = 	snop;
	(pc) =	sbr.ind lr, $3  }
0x3a: {  	_ = 	snop  }
0x3b: {  	_ = 	snop  }
0x3c: {  	p2 =	seq.s32 s10, $0x1;
	s10 =	sld [smem:$0x3FB6]  }
0x3d: {  	_ =	shalt  }
0x3e: {  	_ =	shalt  }
0x3f: {  	_ =	shalt  }
0x40: {  	_ =	shalt  }
0x41: {  	_ =	shalt  }
0x42: {  	_ =	shalt  }
0x43: {  	_ =	shalt  }
0x44: {  	_ =	shalt  }
0x45: {  	_ =	shalt  }
0x46: {  	_ =	shalt  }
0x47: {  	_ =	shalt  }
0x48: {  	_ =	shalt  }
0x49: {  	_ =	shalt  }
0x4a: {  	_ =	shalt  }
0x4b: {  	_ =	shalt  }
0x4c: {  	_ =	shalt  }
0x4d: {  	_ =	shalt  }
0x4e: {  	_ =	shalt  }
0x4f: {  	_ =	shalt  }
0x50: {  	_ =	shalt  }
0x51: {  	_ =	shalt  }
0x52: {  	_ =	shalt  }
0x53: {  	_ =	shalt  }
0x54: {  	_ =	shalt  }
0x55: {  	_ =	shalt  }
0x56: {  	_ =	shalt  }
0x57: {  	_ =	shalt  }
0x58: {  	_ =	shalt  }
0x59: {  	_ =	shalt  }
0x5a: {  	_ =	shalt  }
0x5b: {  	_ =	shalt  }
0x5c: {  	_ =	shalt  }
0x5d: {  	_ =	shalt  }
0x5e: {  	_ =	shalt  }
0x5f: {  	_ =	shalt  }
0x60: {  	_ =	shalt  }
0x61: {  	_ =	shalt  }
0x62: {  	_ =	shalt  }
0x63: {  	_ =	shalt  }
0x64: {  	_ =	shalt  }
0x65: {  	_ =	shalt  }
0x66: {  	_ =	shalt  }
0x67: {  	_ =	shalt  }
0x68: {  	_ =	shalt  }
0x69: {  	_ =	shalt  }
0x6a: {  	_ =	shalt  }
0x6b: {  	_ =	shalt  }
0x6c: {  	_ =	shalt  }
0x6d: {  	_ =	shalt  }
0x6e: {  	_ =	shalt  }
0x6f: {  	_ =	shalt  }
0x70: {  	_ =	shalt  }
0x71: {  	_ =	shalt  }
0x72: {  	_ =	shalt  }
0x73: {  	_ =	shalt  }
0x74: {  	_ =	shalt  }
0x75: {  	_ =	shalt  }
0x76: {  	_ =	shalt  }
0x77: {  	_ =	shalt  }
0x78: {  	_ =	shalt  }
0x79: {  	_ =	shalt  }
0x7a: {  	_ =	shalt  }
0x7b: {  	_ =	shalt  }
0x7c: {  	_ =	shalt  }
0x7d: {  	_ =	shalt  }
0x7e: {  	_ =	shalt  }
0x7f: {  	_ =	shalt  }
0x80: {  	_ =	shalt  }
0x81: {  	_ =	shalt  }
0x82: {  	_ =	shalt  }
0x83: {  	_ =	shalt  }
0x84: {  	_ =	shalt  }
0x85: {  	_ =	shalt  }
0x86: {  	_ =	shalt  }
0x87: {  	_ =	shalt  }
.Lfunc_end0:
.L_simem_size_0:
called_computation_lowered:
.L_overlay_start_0:
0x88: {  	s2 =	sld [smem:$0x3FD9]  }
0x89: {  	s3 =	sld [smem:$0x3FFE];
	_ =	sdelay $0x1  }
0x8a: {  	s1 =	srdreg.scid  }
0x8b: {  	s0 =	sand.u32 $0x1, s1  }
0x8c: {  	s16 =	sshll.u32 s0, $0xA;
	s2 =	sadd.s32 s3, s2  }
0x8d: {  	s2 =	sadd.s32 s2, s16  }
0x8e: {  	[smem:$0x3FC2] =	sst s2  }
0x8f: {  	_ = 	snop  }
0x90: {  	(tm) =	ssettm $0x1  }
0x91: {  	s17 =	sld [smem:$0x3FFB];
	_ =	sdelay $0x3  }
0x92: {  	_ =	strace s17  }
0x93: {  	s2 =	sld [smem:$0x3FFC];
	_ =	sdelay $0x3  }
0x94: {  	_ =	strace s2  }
0x95: {  	s2 =	sld [smem:$0x3FFD];
	_ =	sdelay $0x3  }
0x96: {  	_ =	strace s2  }
0x97: {  	_ =	strace $0x8FFFFFFF  }
0x98: {  	s18 =	sld [smem:$0x3FDB];
	_ =	sdelay $0x1  }
0x99: {  	s19 =	simm.s32 $_scs_section_size  }
0x9a: {  	s4 =	simm.s32 $_size__tile_overlayer_lowered;
	s5 =	simm.s32 $_tile_overlayer_lowered  }
0x9b: {  	s22 =	simm.s32 $0x1BFF;
	s21 =	sshll.u32 s5, $0x1;
	s2 =	sadd.s32 s19, s18  }
0x9c: {  	s6 =	simm.s32 $0x0;
	s20 =	sshll.u32 s4, $0x1;
	s4 =	sadd.s32 s21, s2  }
0x9d: {  	[timem:s6], [sflag:s22] =	dma.local [hbm:s4], s20  }
0x9e: {  	_ =	swait.ge [sflag:s22], s20  }
0x9f: {  	s3 =	ssub.s32 $0x0, s20;
	[sflag:s22] =	ssyncset.done $0x0  }
0xa0: {  	[sflag:s22] =	ssyncadd.s32 s3;
	_ =	sdelay $0x1  }
0xa1: {  	s23 =	simm.s32 $0x1B8B  }
0xa2: {  	_ =	swait.ge [sflag:s23], $0x1  }
0xa3: {  	[sflag:s23] =	ssyncset.done $0x0  }
0xa4: {  	s25 =	simm.s32 $0x1B8E;
	s24 =	sld [smem:$0x3FFE];
	[sflag:s23] =	ssyncadd.s32 $0xFFFFFFFF  }
0xa5: {  	s26 =	simm.s32 $execute0_lowered;
	[smem:$0x3FD2] =	sst s25  }
0xa6: {  	s4 =	sshll.u32 s26, $0x1;
	_ =	strace $0x80000046;
	[dreg:$0x1] =	wrdreg $0xFFFFFFFF  }
0xa7: {  	s28 =	simm.s32 $_size_execute0_lowered;
	s2 =	sadd.s32 s2, s4;
	[dreg:$0x0] =	wrdreg $0x0  }
0xa8: {  	s4 =	sshll.u32 s28, $0x1;
	[dreg:$0x2] =	wrdreg s2  }
0xa9: {  	[dreg:$0x3] =	wrdreg s4  }
0xaa: {  	[dreg:$0x4] =	wrdreg $0xC0  }
0xab: {  	_ =	task [dreg:s6], $0x5FFFF  }
0xac: {  	[dreg:$0x1] =	wrdreg $0xFFFFFFFF  }
0xad: {  	[dreg:$0x0] =	wrdreg $0x60  }
0xae: {  	[dreg:$0x2] =	wrdreg s24  }
0xaf: {  	[dreg:$0x3] =	wrdreg $0x6A900  }
0xb0: {  	[dreg:$0x4] =	wrdreg $0x9  }
0xb1: {  	_ =	task.clear_ibuf [dreg:s6], $0x5FFFF;
	_ =	strace $0x90000046  }
0xb2: {  	s29 =	simm.s32 $0x9;
	_ =	strace $0x80000048  }
0xb3: {  	_ =	swait.ge [sflag:s29], $0x1  }
0xb4: {  	[sflag:s29] =	ssyncadd.s32 $0xFFFFFFFF  }
0xb5: {  	_ =	strace $0x90000048  }
0xb6: {  	_ =	sfence  }
0xb7: {  	s30 =	sld [smem:$0x0];
	_ =	sdelay $0x2  }
0xb8: {  	s31 =	sshll.u32 s1, $0xD;
	s1 =	sshrl.u32 s1, $0x2  }
0xb9: {  	s3 =	sand.u32 $0x4000, s31;
	s1 =	sadd.s32 s1, s30  }
0xba: {  	s0 =	sor.u32 s3, s0;
	s1 =	sshll.u32 s1, $0x11  }
0xbb: {  	s0 =	sor.u32 s1, s0  }
0xbc: {  	s0 =	sadd.s32 $0x8F2B, s0  }
0xbd: {  	[sflag:s0] =	ssyncadd.remote.s32 $0x1  }
0xbe: {  	_ =	sfence.sel $0xFFFF  }
0xbf: {  	[dreg:$0x0] =	wrdreg $0xFFFFFFFF;
	(pc) =	sbr.abs _section_cstart, $3  }
0xc0: {  	[dreg:$0x1] =	wrdreg $0xFFFFFFFF  }
0xc1: {  	_ =	task.clear_ibuf [dreg:s6], $0x2FFFF;
	_ =	strace $0x9FFFFFFF  }
0xc2: {  	(tm) =	ssettm $0x7FFFFFFF  }
0xc3: {  	_ =	shalt  }
tec
execute0_lowered:
.L_overlay_start_1:
0x0: {  	(tag) =	ssettag $0x1  }
0x1: {  	s4 =	rddreg [dreg:$0x0]  }
0x2: {  	s2 =	rddreg [dreg:$0x1]  }
0x3: {  	s1 =	srdreg.scid;
	s0 =	rddreg [dreg:$0x2]  }
0x4: {  	s3 =	simm.s32 $0x0;
	s11 =	simm.s32 $0x50;
	s12 =	simm.s32 $0x2710  }
0x5: {  	s13 =	simm.s32 $0xA0;
	s14 =	simm.s32 $0xF0;
	s15 =	simm.s32 $0x140  }
0x6: {  	s16 =	simm.s32 $0x190;
	s17 =	simm.s32 $0x1E0;
	s5 =	sand.u32 $0x1, s1  }
0x7: {  	s20 =	simm.s32 $0x0;
	s1 =	stileid.u32;
	s7 =	smul.u32 $0x27100, s5  }
0x8: {  	[smem:$0x7FF] =	sst s3;
	s6 =	sshll.u32 s5, $0x4;
	s8 =	smul.u32 $0x3E80, s1  }
0x9: {  	_ =	strace $0x80000047;
	s9 =	smul.u32 $0xFA00, s1;
	s5 =	ssub.s32 $0x2, s5  }
0xa: {  	p0 =	sgt.u32 s1, $0x9;
	s6 =	sor.u32 s1, s6;
	s31 =	sshrl.u32 s5, $0x1  }
0xb: {  	s18 =	sshll.u32 @!p0 s1, $0x6;
	s6 =	smul.u32 $0x4E2, s6;
	s7 =	sadd.s32 s8, s7  }
0xc: {  	s9 =	sshrl.u32 s9, $0x2;
	s10 =	ssub.s32 s5, s31;
	s19 =	sadd.s32 s8, s2  }
0xd: {  	s8 =	simm.s32 $0x1;
	s18 =	sor.u32 @!p0 $0x1C02, s18;
	s7 =	sshrl.u32 s7, $0x3  }
0xe: {  	s5 =	sadd.s32 s9, s2;
	s9 =	simm.s32 $0x2C10;
	s6 =	sadd.s32 s6, s4  }
0xf: {  	s19 =	sshrl.u32 @!p0 s19, $0x3;
	s7 =	sadd.s32 s7, s4;
	s4 =	sadd.s32 $0xCA00, s6  }
0x10: {  	v0 =	vimm.f32 $1.000000000e+00;
	v1 =	vimm.f32 $0.0e+00;
	s6 =	sadd.s32 $0x16800, s7;
	s7 =	smax.u32 s10, $0x1;
	s10 =	simm.s32 $0x2  }
.LBB2_1:
0x11: {  	[tilespmem:s3], [sflag:$0x1] =	stream.linear.gather [hbm4b:s4+s3], $0x2710, $0x38;
	[tilespmem:$0x91A0] =	vst v63  }
0x12: {  	s21 =	simm.s32 $0x40;
	s22 =	simm.s32 $0x0  }
.LBB2_2:
0x13: {  	p1 =	sne.s32 s21, $0x13C0;
	[tilespmem:s22+$0x2710] =	vst v0;
	s22 =	smov.u32 s21;
	s21 =	sadd.s32 $0x40, s21  }
.Ltmp0:
0x14: {  	(pc) =	sbr.rel @p1 .LBB2_2-.Ltmp0, $2  }
0x15: {  	_ =	sdelay $0x2  }
0x16: {  	s22 =	sshra.s32 s22, $0x2  }
.Ltmp1:
0x17: {  	(pc) =	sbr.rel @p0 .LBB2_7-.Ltmp1, $4  }
0x18: {  	[tilespmem:s22+$0x2710] =	vst v0  }
0x19: {  	_ =	swait.ge [sflag:s8], $0x2710  }
0x1a: {  	[sflag:s8] =	ssyncset.done $0x0  }
0x1b: {  	[sflag:s8] =	ssyncadd.s32 $0xFFFFD8F0  }
0x1c: {  	s21 =	simm.s32 $0x40;
	s22 =	simm.s32 $0x0  }
.LBB2_5:
0x1d: {  	p1 =	sne.s32 s21, $0xF9C0;
	[tilespmem:s22+$0x2C10] =	vst v1;
	s22 =	smov.u32 s21;
	s21 =	sadd.s32 $0x40, s21  }
.Ltmp2:
0x1e: {  	(pc) =	sbr.rel @p1 .LBB2_5-.Ltmp2, $2  }
0x1f: {  	_ =	sdelay $0x2  }
0x20: {  	s22 =	sshra.s32 s22, $0x2  }
0x21: {  	[tilespmem:s22+$0x2C10] =	vst v1  }
0x22: {  	[spmem:s5] =	stream.linear.scatter [tilespmem:s9], [sflag:$0x2], $0x3E80, $0x38;
	[tilespmem:$0x91A0] =	vst v63  }
0x23: {  	_ =	swait.ge [sflag:s10], $0x3E80  }
0x24: {  	[sflag:s10] =	ssyncset.done $0x0  }
0x25: {  	[sflag:s10] =	ssyncadd.s32 $0xFFFFC180  }
.LBB2_7:
0x26: {  	[bflag:$0x0] =	sbarrier.arrive $0xFFFF  }
0x27: {  	[spmem:s2] =	stream.indirect.scatter.add.f32 [tilespmem:s12], [sflag:$0x1], $0x10, s3, s11, $0xb8;
	[tilespmem:$0x91A0] =	vst v63  }
0x28: {  	_ = 	snop  }
0x29: {  	[spmem:s2] =	stream.indirect.scatter.add.f32 [tilespmem:s12], [sflag:$0x1], $0x10, s11, s11, $0xb8;
	[tilespmem:$0x91A0] =	vst v63  }
0x2a: {  	_ = 	snop  }
0x2b: {  	[spmem:s2] =	stream.indirect.scatter.add.f32 [tilespmem:s12], [sflag:$0x1], $0x10, s13, s11, $0xb8;
	[tilespmem:$0x91A0] =	vst v63  }
0x2c: {  	_ = 	snop  }
0x2d: {  	[spmem:s2] =	stream.indirect.scatter.add.f32 [tilespmem:s12], [sflag:$0x1], $0x10, s14, s11, $0xb8;
	[tilespmem:$0x91A0] =	vst v63  }
0x2e: {  	_ = 	snop  }
0x2f: {  	[spmem:s2] =	stream.indirect.scatter.add.f32 [tilespmem:s12], [sflag:$0x1], $0x10, s15, s11, $0xb8;
	[tilespmem:$0x91A0] =	vst v63  }
0x30: {  	_ = 	snop  }
0x31: {  	[spmem:s2] =	stream.indirect.scatter.add.f32 [tilespmem:s12], [sflag:$0x1], $0x10, s16, s11, $0xb8;
	[tilespmem:$0x91A0] =	vst v63  }
0x32: {  	_ = 	snop  }
0x33: {  	[spmem:s2] =	stream.indirect.scatter.add.f32 [tilespmem:s12], [sflag:$0x1], $0x10, s17, s11, $0xb8;
	[tilespmem:$0x91A0] =	vst v63  }
0x34: {  	s21 =	simm.s32 $0x230  }
0x35: {  	[spmem:s2] =	stream.indirect.scatter.add.f32 [tilespmem:s12], [sflag:$0x1], $0x10, s21, s11, $0xb8;
	[tilespmem:$0x91A0] =	vst v63  }
0x36: {  	_ =	swait.ge [sflag:s8], $0x500  }
0x37: {  	s21 =	simm.s32 $0xA00;
	[sflag:s8] =	ssyncset.done $0x0  }
.LBB2_8:
0x38: {  	s22 =	sshra.s32 s21, $0x2;
	[sflag:s8] =	ssyncadd.s32 $0xFFFFFB00;
	p1 =	sne.s32 s21, $0x9B00  }
0x39: {  	[spmem:s2] =	stream.indirect.scatter.add.f32 [tilespmem:s12], [sflag:$0x1], $0x10, s22, s11, $0xb8;
	[tilespmem:$0x91A0] =	vst v63  }
.Ltmp3:
0x3a: {  	_ = 	snop;
	(pc) =	sbr.rel @p1 .LBB2_8-.Ltmp3, $4  }
0x3b: {  	_ = 	snop  }
0x3c: {  	s21 =	sadd.s32 $0x140, s21  }
0x3d: {  	_ =	swait.ge [sflag:s8], $0x500  }
0x3e: {  	[sflag:s8] =	ssyncset.done $0x0  }
0x3f: {  	[sflag:s8] =	ssyncadd.s32 $0xFFFFFB00  }
0x40: {  	_ =	swait.ge [sflag:s8], $0x500  }
0x41: {  	[sflag:s8] =	ssyncset.done $0x0  }
0x42: {  	[sflag:s8] =	ssyncadd.s32 $0xFFFFFB00  }
0x43: {  	_ =	swait.ge [sflag:s8], $0x500  }
0x44: {  	[sflag:s8] =	ssyncset.done $0x0  }
0x45: {  	[sflag:s8] =	ssyncadd.s32 $0xFFFFFB00  }
0x46: {  	_ =	swait.ge [sflag:s8], $0x500  }
0x47: {  	[sflag:s8] =	ssyncset.done $0x0  }
0x48: {  	[sflag:s8] =	ssyncadd.s32 $0xFFFFFB00  }
0x49: {  	_ =	swait.ge [sflag:s8], $0x500  }
0x4a: {  	[sflag:s8] =	ssyncset.done $0x0  }
0x4b: {  	[sflag:s8] =	ssyncadd.s32 $0xFFFFFB00  }
0x4c: {  	_ =	swait.ge [sflag:s8], $0x500  }
0x4d: {  	[sflag:s8] =	ssyncset.done $0x0  }
0x4e: {  	[sflag:s8] =	ssyncadd.s32 $0xFFFFFB00  }
0x4f: {  	_ =	swait.ge [sflag:s8], $0x500  }
0x50: {  	[sflag:s8] =	ssyncset.done $0x0  }
0x51: {  	[sflag:s8] =	ssyncadd.s32 $0xFFFFFB00  }
0x52: {  	_ =	swait.ge [sflag:s8], $0x500  }
0x53: {  	s20 =	sadd.s32 $0x1, s20;
	[sflag:s8] =	ssyncset.done $0x0  }
0x54: {  	p1 =	sne.s32 s20, s7;
	[sflag:s8] =	ssyncadd.s32 $0xFFFFFB00  }
.Ltmp4:
0x55: {  	s21 =	simm.s32 @!p0 $0x2;
	[bflag:$0x0] =	sbarrier.arrive $0xFFFF;
	(pc) =	sbr.rel @p1 .LBB2_1-.Ltmp4, $4  }
0x56: {  	[hbm:s6], [sflag:s18] =	dma.local @!p0 [spmem:s19], $0x7D0  }
0x57: {  	_ =	swait.ge @!p0 [sflag:s21], $0x7D0  }
0x58: {  	[sflag:s21] =	ssyncset.done @!p0 $0x0  }
0x59: {  	[sflag:s21] =	ssyncadd.s32 @!p0 $0xFFFFF830  }
0x5a: {  	_ =	sfence.sel $0x180000  }
0x5b: {  	[bflag:$0x0] =	sbarrier.arrive $0xFFFF  }
0x5c: {  	p0 =	sne.s32 s1, $0x0;
	_ =	strace $0x90000047  }
0x5d: {  	s0 =	sadd.s32 @!p0 $0x100000, s0;
	[bflag:$0x2] =	sbarrier.arrive $0xFFFF  }
0x5e: {  	[sflag:s0] =	ssyncadd.tile.s32 @!p0 $0x1;
	_ =	shalt  }
.Lfunc_end2:
_tile_overlayer_lowered:
.L_overlay_start_2:
0x5f: {  	(tag) =	ssettag $0x2  }
0x60: {  	s0 =	rddreg [dreg:$0x0];
	s2 =	stileid.u32  }
0x61: {  	s1 =	rddreg [dreg:$0x1];
	p0 =	sne.s32 s2, $0x0  }
0x62: {  	s3 =	rddreg [dreg:$0x2];
	[bflag:$0x3] =	sbarrier.arrive $0xFFFF;
	s2 =	simm.s32 @!p0 $0x1C02  }
0x63: {  	[timem:s3], [sflag:s2] =	dma.local @!p0 [hbm:s0], s1  }
0x64: {  	s0 =	simm.s32 @!p0 $0x2  }
0x65: {  	_ =	swait.ge @!p0 [sflag:s0], s1  }
0x66: {  	s1 =	ssub.s32 @!p0 $0x0, s1;
	[sflag:s0] =	ssyncset.done @!p0 $0x0  }
0x67: {  	[sflag:s0] =	ssyncadd.s32 @!p0 s1  }
0x68: {  	[bflag:$0x3] =	sbarrier.arrive $0xFFFF  }
0x69: {  	_ =	shalt  }

</sc_bundles>
